<compile_context>
chip_gen: v7x
topology: tpu7x:2x2x1
jax: 0.10.2.dev20260603
libtpu: 0.0.44.dev20260713+nightly
codegen_flags: <defaults>
</compile_context>

<pallas_src>
import functools

import jax
import jax.numpy as jnp
from jax import lax
from jax.experimental import pallas as pl
from jax.experimental.pallas import tpu as pltpu
from jax.experimental.pallas import tpu_sc as plsc

_N = 10000
_E = 320000
_D = 128
_G = 64
_STEPS = 3

_NC = 2
_NS = 16
_NW = _NC * _NS
_CH = 128
_NCHUNK = 80
_HC = _NCHUNK // 2
_EPAD = _NW * _NCHUNK * _CH
_NPAD = 10240
_STRIPE = _NPAD // _NS


def _deg_body(dst_hbm, zerov_hbm, out_hbm, idx_d, ones, accd):
    cid = lax.axis_index("c")
    sid = lax.axis_index("s")
    wid = cid * _NS + sid
    pltpu.sync_copy(dst_hbm.at[wid], idx_d)
    pltpu.sync_copy(zerov_hbm.at[pl.ds(sid * _STRIPE, _STRIPE)],
                    accd.at[pl.ds(sid * _STRIPE, _STRIPE)])
    for k in range(_CH // 16):
        ones[pl.ds(k * 16, 16)] = jnp.ones((16,), jnp.float32)
    plsc.subcore_barrier()

    def step(j, carry):
        pltpu.sync_copy(ones, accd.at[idx_d.at[j]], add=True)
        return carry

    lax.fori_loop(0, _NCHUNK, step, 0)
    plsc.subcore_barrier()
    pltpu.sync_copy(accd.at[pl.ds(sid * _STRIPE, _STRIPE)],
                    out_hbm.at[cid, pl.ds(sid * _STRIPE, _STRIPE)])


@functools.lru_cache(maxsize=None)
def _sc_mesh():
    return plsc.VectorSubcoreMesh(core_axis_name="c", subcore_axis_name="s",
                                  num_cores=_NC, num_subcores=_NS)


@functools.lru_cache(maxsize=None)
def _deg_kernel_build():
    return pl.kernel(
        _deg_body,
        out_type=jax.ShapeDtypeStruct((_NC, _NPAD), jnp.float32),
        mesh=_sc_mesh(),
        scratch_types=[
            pltpu.VMEM((_NCHUNK, _CH), jnp.int32),
            pltpu.VMEM((_CH,), jnp.float32),
            pltpu.VMEM_SHARED((_NPAD,), jnp.float32),
        ],
    )


def _edge_scatter_body(xs_hbm, src_hbm, dst_hbm, zrow_hbm, out_hbm,
                       idx_s, idx_d, rows0, rows1, acc, sem0, sem1, sem2):
    cid = lax.axis_index("c")
    sid = lax.axis_index("s")
    wid = cid * _NS + sid
    zcp = pltpu.async_copy(zrow_hbm.at[pl.ds(sid * _STRIPE, _STRIPE)],
                           acc.at[pl.ds(sid * _STRIPE, _STRIPE)], sem2)

    def gather_start(j, buf, sem):
        pltpu.async_copy(xs_hbm.at[idx_s.at[j]], buf, sem)

    def gather_wait(j, buf, sem):
        pltpu.make_async_copy(xs_hbm.at[idx_s.at[j]], buf, sem).wait()

    first = True
    for h in range(_NCHUNK // _HC):
        pltpu.sync_copy(src_hbm.at[wid, pl.ds(h * _HC, _HC)], idx_s)
        pltpu.sync_copy(dst_hbm.at[wid, pl.ds(h * _HC, _HC)], idx_d)
        gather_start(0, rows0, sem0)
        if first:
            zcp.wait()
            plsc.subcore_barrier()
            first = False

        def step(i, carry):
            j = 2 * i
            gather_start(j + 1, rows1, sem1)
            gather_wait(j, rows0, sem0)
            pltpu.sync_copy(rows0, acc.at[idx_d.at[j]], add=True)

            @pl.when(i + 1 < _HC // 2)
            def _():
                gather_start(j + 2, rows0, sem0)

            gather_wait(j + 1, rows1, sem1)
            pltpu.sync_copy(rows1, acc.at[idx_d.at[j + 1]], add=True)
            return carry

        lax.fori_loop(0, _HC // 2, step, 0)
    plsc.subcore_barrier()
    pltpu.sync_copy(acc.at[pl.ds(sid * _STRIPE, _STRIPE)],
                    out_hbm.at[cid, pl.ds(sid * _STRIPE, _STRIPE)])


@functools.lru_cache(maxsize=None)
def _edge_scatter_build():
    return pl.kernel(
        _edge_scatter_body,
        out_type=jax.ShapeDtypeStruct((_NC, _NPAD, _D), jnp.float32),
        mesh=_sc_mesh(),
        scratch_types=[
            pltpu.VMEM((_HC, _CH), jnp.int32),
            pltpu.VMEM((_HC, _CH), jnp.int32),
            pltpu.VMEM((_CH, _D), jnp.float32),
            pltpu.VMEM((_CH, _D), jnp.float32),
            pltpu.VMEM_SHARED((_NPAD, _D), jnp.float32),
            pltpu.SemaphoreType.DMA,
            pltpu.SemaphoreType.DMA,
            pltpu.SemaphoreType.DMA,
        ],
    )



def _dinv_col(degp):
    deg = degp[0, :] + degp[1, :] + 1.0
    return lax.rsqrt(deg).reshape(_NPAD, 1)


def _sigmoid(v):
    return 1.0 / (1.0 + jnp.exp(-v))


def _tc_a1_body(x_ref, w_ref, xw_ref):
    xw = jnp.dot(x_ref[...], w_ref[...], preferred_element_type=jnp.float32)
    xw_ref[0:_N, :] = xw
    xw_ref[_N:_NPAD, :] = jnp.zeros((_NPAD - _N, _D), jnp.float32)


def _tc_a2_body(xw_ref, degp_ref, xs_ref):
    dc = _dinv_col(degp_ref[...])
    xs_ref[...] = xw_ref[...] * dc


def _tc_b_body(acc_ref, xw1_ref, w2_ref, b1_ref, degp_ref, xw2_ref, xs2_ref):
    dc = _dinv_col(degp_ref[...])
    agg = acc_ref[0] + acc_ref[1]
    h1 = jnp.maximum(dc * agg + dc * dc * xw1_ref[...] + b1_ref[...][None, :],
                     0.0)
    xw2 = jnp.dot(h1, w2_ref[...], preferred_element_type=jnp.float32)
    xw2_ref[...] = xw2
    xs2_ref[...] = xw2 * dc


def _tc_c_body(acc_ref, xw2_ref, b2_ref, degp_ref, batch_ref,
               wi_ref, wh_ref, bi_ref, bh_ref, out_ref):
    f32 = jnp.float32
    dc = _dinv_col(degp_ref[...])
    h2 = (dc * (acc_ref[0] + acc_ref[1]) + dc * dc * xw2_ref[...]
          + b2_ref[...][None, :])
    bat = batch_ref[...]
    gids = lax.broadcasted_iota(jnp.int32, (_G, _NPAD), 0)
    seg = gids == bat[None, :]
    segf = seg.astype(f32)

    h = jnp.zeros((_G, _D), f32)
    c = jnp.zeros((_G, _D), f32)
    qs = jnp.zeros((_G, 2 * _D), f32)
    for _ in range(_STEPS):
        gates = (jnp.dot(qs, wi_ref[...], preferred_element_type=f32)
                 + jnp.dot(h, wh_ref[...], preferred_element_type=f32)
                 + bi_ref[...][None, :] + bh_ref[...][None, :])
        ii = _sigmoid(gates[:, 0:_D])
        ff = _sigmoid(gates[:, _D:2 * _D])
        gg = jnp.tanh(gates[:, 2 * _D:3 * _D])
        oo = _sigmoid(gates[:, 3 * _D:4 * _D])
        c = ff * c + ii * gg
        h = oo * jnp.tanh(c)
        q = h
        qh = lax.dot_general(q, h2, (((1,), (1,)), ((), ())),
                             preferred_element_type=f32)
        e = jnp.sum(jnp.where(seg, qh, 0.0), axis=0)
        m = jnp.max(jnp.where(seg, e[None, :], -jnp.inf), axis=1)
        m = jnp.where(jnp.abs(m) < jnp.inf, m, 0.0)
        mrow = jnp.sum(segf * m[:, None], axis=0)
        ex = jnp.exp(e - mrow)
        ext = segf * ex[None, :]
        ssum = jnp.sum(ext, axis=1)
        rnum = jnp.dot(ext, h2, preferred_element_type=f32)
        r = rnum / (ssum[:, None] + 1e-16)
        qs = jnp.concatenate([q, r], axis=1)
    out_ref[...] = qs


_tc_a1 = pl.pallas_call(
    _tc_a1_body,
    out_shape=jax.ShapeDtypeStruct((_NPAD, _D), jnp.float32),
)

_tc_a2 = pl.pallas_call(
    _tc_a2_body,
    out_shape=jax.ShapeDtypeStruct((_NPAD, _D), jnp.float32),
)

_tc_b = pl.pallas_call(
    _tc_b_body,
    out_shape=[jax.ShapeDtypeStruct((_NPAD, _D), jnp.float32)] * 2,
)

_tc_c = pl.pallas_call(
    _tc_c_body,
    out_shape=jax.ShapeDtypeStruct((_G, 2 * _D), jnp.float32),
)



def kernel(x, edge_index, batch, W1, b1, W2, b2, Wi, Wh, bi, bh):
    f32 = jnp.float32
    src = edge_index[0]
    dst = edge_index[1]
    pad_e = _EPAD - _E
    fill = _N + (jnp.arange(pad_e, dtype=jnp.int32) % (_NPAD - _N))
    srcp = jnp.concatenate([src, fill]).reshape(_NW, _NCHUNK, _CH)
    dstp = jnp.concatenate([dst, fill]).reshape(_NW, _NCHUNK, _CH)
    batp = jnp.concatenate([batch, jnp.full((_NPAD - _N,), _G, jnp.int32)])
    zrow = jnp.zeros((_NPAD, _D), f32)
    zvec = jnp.zeros((_NPAD,), f32)

    xw1 = _tc_a1(x, W1)
    degp = _deg_kernel_build()(dstp, zvec)
    xs1 = _tc_a2(xw1, degp)
    acc1 = _edge_scatter_build()(xs1, srcp, dstp, zrow)
    xw2, xs2 = _tc_b(acc1, xw1, W2, b1, degp)
    acc2 = _edge_scatter_build()(xs2, srcp, dstp, zrow)
    return _tc_c(acc2, xw2, b2, degp, batp, Wi, Wh, bi, bh)

# --- scband reference (transcript-rebuilt; emitter-appended) ---
"""Pipeline reference for scband-graph2-vec-set2-set-40948218200428 (READ-ONLY COPY).

The authoritative reference and input builder live on the scoring server;
editing this copy changes nothing except your own understanding.
"""

import jax, jax.numpy as jnp
import numpy as np

N = 10000
E = 320000
D = 128
G = 64
STEPS = 3


def setup_inputs(seed: int = 0) -> dict:
    key = jax.random.key(seed)
    ks = jax.random.split(key, 10)
    x = jax.random.normal(ks[0], (N, D), dtype=jnp.float32)
    edge_index = jax.random.randint(ks[1], (2, E), 0, N, dtype=jnp.int32)
    batch = jnp.sort(jax.random.randint(ks[2], (N,), 0, G, dtype=jnp.int32))
    W1 = jax.random.normal(ks[3], (D, D), dtype=jnp.float32) * (1.0 / np.sqrt(D))
    b1 = jnp.zeros((D,), dtype=jnp.float32)
    W2 = jax.random.normal(ks[4], (D, D), dtype=jnp.float32) * (1.0 / np.sqrt(D))
    b2 = jnp.zeros((D,), dtype=jnp.float32)
    Wi = jax.random.normal(ks[5], (2 * D, 4 * D), dtype=jnp.float32) * (1.0 / np.sqrt(2 * D))
    Wh = jax.random.normal(ks[6], (D, 4 * D), dtype=jnp.float32) * (1.0 / np.sqrt(D))
    bi = jnp.zeros((4 * D,), dtype=jnp.float32)
    bh = jnp.zeros((4 * D,), dtype=jnp.float32)
    return {"x": x, "edge_index": edge_index, "batch": batch,
            "W1": W1, "b1": b1, "W2": W2, "b2": b2,
            "Wi": Wi, "Wh": Wh, "bi": bi, "bh": bh}


def gcn_conv(x, src, dst, W, b):
    # x -> x @ W, add self-loops, symmetric normalization, scatter-add to dst
    xw = x @ W
    loop = jnp.arange(N, dtype=src.dtype)
    s = jnp.concatenate([src, loop])
    d = jnp.concatenate([dst, loop])
    deg = jnp.zeros((N,), xw.dtype).at[d].add(1.0)
    dinv = jax.lax.rsqrt(deg)  # deg >= 1 because of self-loops
    norm = dinv[s] * dinv[d]
    msg = xw[s] * norm[:, None]
    out = jnp.zeros((N, xw.shape[1]), xw.dtype).at[d].add(msg)
    return out + b


def lstm_step(inp, h, c, Wi, Wh, bi, bh):
    gates = inp @ Wi + h @ Wh + bi + bh
    i, f, g, o = jnp.split(gates, 4, axis=-1)
    i = jax.nn.sigmoid(i)
    f = jax.nn.sigmoid(f)
    g = jnp.tanh(g)
    o = jax.nn.sigmoid(o)
    c = f * c + i * g
    h = o * jnp.tanh(c)
    return h, c


def set2set(x, batch, Wi, Wh, bi, bh):
    h = jnp.zeros((G, D), x.dtype)
    c = jnp.zeros((G, D), x.dtype)
    q_star = jnp.zeros((G, 2 * D), x.dtype)
    for _ in range(STEPS):
        h, c = lstm_step(q_star, h, c, Wi, Wh, bi, bh)
        q = h
        e = jnp.sum(x * q[batch], axis=-1)
        m = jax.ops.segment_max(e, batch, num_segments=G)
        m = jnp.where(jnp.isfinite(m), m, 0.0)
        ex = jnp.exp(e - m[batch])
        ssum = jax.ops.segment_sum(ex, batch, num_segments=G)
        a = ex / (ssum[batch] + 1e-16)
        r = jax.ops.segment_sum(a[:, None] * x, batch, num_segments=G)
        q_star = jnp.concatenate([q, r], axis=-1)
    return q_star


def reference(x, edge_index, batch, W1, b1, W2, b2, Wi, Wh, bi, bh):
    src = edge_index[0]
    dst = edge_index[1]
    h1 = jax.nn.relu(gcn_conv(x, src, dst, W1, b1))
    h2 = gcn_conv(h1, src, dst, W2, b2)
    return set2set(h2, batch, Wi, Wh, bi, bh)

if __name__ == "__main__":
    import jax
    _d = setup_inputs()
    print(jax.jit(kernel)(*tuple(_d.values())))

</pallas_src>

<mosaic_0001>
#map = affine_map<(d0, d1) -> (0, 0)>
#map1 = affine_map<(d0, d1) -> (0, 0, 0)>
module attributes {stable_mosaic.version = 14 : i64} {
  func.func @_edge_scatter_body(%arg0: i32, %arg1: i32, %arg2: memref<10240x128xf32, #tpu.memory_space<hbm>>, %arg3: memref<32x80x128xi32, #tpu.memory_space<hbm>>, %arg4: memref<32x80x128xi32, #tpu.memory_space<hbm>>, %arg5: memref<10240x128xf32, #tpu.memory_space<hbm>>, %arg6: memref<2x10240x128xf32, #tpu.memory_space<hbm>>, %arg7: memref<40x128xi32, #tpu.memory_space<vmem>>, %arg8: memref<40x128xi32, #tpu.memory_space<vmem>>, %arg9: memref<128x128xf32, #tpu.memory_space<vmem>>, %arg10: memref<128x128xf32, #tpu.memory_space<vmem>>, %arg11: memref<10240x128xf32, #tpu.memory_space<vmem_shared>>, %arg12: memref<!tpu.dma_semaphore, #tpu.memory_space<semaphore_mem>>, %arg13: memref<!tpu.dma_semaphore, #tpu.memory_space<semaphore_mem>>, %arg14: memref<!tpu.dma_semaphore, #tpu.memory_space<semaphore_mem>>) attributes {dimension_semantics = [#tpu.dimension_semantics<core_parallel>, #tpu.dimension_semantics<subcore_parallel>], iteration_bounds = array<i64: 2, 16>, scalar_prefetch = 0 : i64, scratch_operands = 8 : i64, tpu.core_type = #tpu.core_type<sc_vector_subcore>, window_params = [{transform_indices = #map}, {transform_indices = #map1}, {transform_indices = #map1}, {transform_indices = #map}, {transform_indices = #map1}]} {
    %mul3A = arith.constant 16 : i32
    %mul3A_0 = arith.muli %arg0, %mul3A : i32
    %add3A = arith.addi %mul3A_0, %arg1 : i32
    %mul3A_1 = arith.constant 640 : i32
    %mul3A_2 = arith.muli %arg1, %mul3A_1 : i32
    %mul3A_3 = arith.constant 640 : i32
    %mul3A_4 = arith.muli %arg1, %mul3A_3 : i32
    %dma_start3A = arith.constant 0 : i32
    %dma_start3A_5 = tpu.memref_slice %arg11[%mul3A_4, %dma_start3A] : memref<10240x128xf32, #tpu.memory_space<vmem_shared>> -> memref<640x128xf32, #tpu.memory_space<vmem_shared>>
    %dma_start3A_6 = arith.constant 0 : i32
    %dma_start3A_7 = tpu.memref_slice %arg5[%mul3A_2, %dma_start3A_6] : memref<10240x128xf32, #tpu.memory_space<hbm>> -> memref<640x128xf32, #tpu.memory_space<hbm>>
    tpu.enqueue_dma source(%dma_start3A_7 : memref<640x128xf32, #tpu.memory_space<hbm>>) target(%dma_start3A_5 : memref<640x128xf32, #tpu.memory_space<vmem_shared>>) target_semaphore(%arg14 : memref<!tpu.dma_semaphore, #tpu.memory_space<semaphore_mem>>)
    "tpu.region"() ({
      %run_scoped3A = tpu.sem_alloc : memref<!tpu.dma_semaphore, #tpu.memory_space<semaphore_mem>>
      %dma_start3A_41 = arith.constant 0 : i32
      %dma_start3A_42 = arith.constant 0 : i32
      %dma_start3A_43 = tpu.memref_slice %arg3[%add3A, %dma_start3A_41, %dma_start3A_42] : memref<32x80x128xi32, #tpu.memory_space<hbm>> -> memref<1x40x128xi32, #tpu.memory_space<hbm>>
      %dma_start3A_44 = tpu.memref_squeeze %dma_start3A_43 : memref<1x40x128xi32, #tpu.memory_space<hbm>> -> memref<40x128xi32, #tpu.memory_space<hbm>>
      %dma_start3A_45 = arith.constant 0 : i32
      %dma_start3A_46 = arith.constant 0 : i32
      %dma_start3A_47 = tpu.memref_slice %arg3[%add3A, %dma_start3A_45, %dma_start3A_46] : memref<32x80x128xi32, #tpu.memory_space<hbm>> -> memref<1x40x128xi32, #tpu.memory_space<hbm>>
      %dma_start3A_48 = tpu.memref_squeeze %dma_start3A_47 : memref<1x40x128xi32, #tpu.memory_space<hbm>> -> memref<40x128xi32, #tpu.memory_space<hbm>>
      tpu.enqueue_dma source(%dma_start3A_48 : memref<40x128xi32, #tpu.memory_space<hbm>>) target(%arg7 : memref<40x128xi32, #tpu.memory_space<vmem>>) target_semaphore(%run_scoped3A : memref<!tpu.dma_semaphore, #tpu.memory_space<semaphore_mem>>)
      %dma_wait3A_49 = arith.constant 0 : i32
      %dma_wait3A_50 = arith.constant 0 : i32
      %dma_wait3A_51 = tpu.memref_slice %arg3[%add3A, %dma_wait3A_49, %dma_wait3A_50] : memref<32x80x128xi32, #tpu.memory_space<hbm>> -> memref<1x40x128xi32, #tpu.memory_space<hbm>>
      %dma_wait3A_52 = tpu.memref_squeeze %dma_wait3A_51 : memref<1x40x128xi32, #tpu.memory_space<hbm>> -> memref<40x128xi32, #tpu.memory_space<hbm>>
      %dma_wait3A_53 = arith.constant 0 : i32
      %dma_wait3A_54 = arith.constant 0 : i32
      %dma_wait3A_55 = tpu.memref_slice %arg3[%add3A, %dma_wait3A_53, %dma_wait3A_54] : memref<32x80x128xi32, #tpu.memory_space<hbm>> -> memref<1x40x128xi32, #tpu.memory_space<hbm>>
      %dma_wait3A_56 = tpu.memref_squeeze %dma_wait3A_55 : memref<1x40x128xi32, #tpu.memory_space<hbm>> -> memref<40x128xi32, #tpu.memory_space<hbm>>
      tpu.wait_dma2 semaphore(%run_scoped3A : memref<!tpu.dma_semaphore, #tpu.memory_space<semaphore_mem>>) src(%dma_wait3A_56 : memref<40x128xi32, #tpu.memory_space<hbm>>) dst(%arg7 : memref<40x128xi32, #tpu.memory_space<vmem>>)
      tpu.yield
    }) : () -> ()
    "tpu.region"() ({
      %run_scoped3A = tpu.sem_alloc : memref<!tpu.dma_semaphore, #tpu.memory_space<semaphore_mem>>
      %dma_start3A_41 = arith.constant 0 : i32
      %dma_start3A_42 = arith.constant 0 : i32
      %dma_start3A_43 = tpu.memref_slice %arg4[%add3A, %dma_start3A_41, %dma_start3A_42] : memref<32x80x128xi32, #tpu.memory_space<hbm>> -> memref<1x40x128xi32, #tpu.memory_space<hbm>>
      %dma_start3A_44 = tpu.memref_squeeze %dma_start3A_43 : memref<1x40x128xi32, #tpu.memory_space<hbm>> -> memref<40x128xi32, #tpu.memory_space<hbm>>
      %dma_start3A_45 = arith.constant 0 : i32
      %dma_start3A_46 = arith.constant 0 : i32
      %dma_start3A_47 = tpu.memref_slice %arg4[%add3A, %dma_start3A_45, %dma_start3A_46] : memref<32x80x128xi32, #tpu.memory_space<hbm>> -> memref<1x40x128xi32, #tpu.memory_space<hbm>>
      %dma_start3A_48 = tpu.memref_squeeze %dma_start3A_47 : memref<1x40x128xi32, #tpu.memory_space<hbm>> -> memref<40x128xi32, #tpu.memory_space<hbm>>
      tpu.enqueue_dma source(%dma_start3A_48 : memref<40x128xi32, #tpu.memory_space<hbm>>) target(%arg8 : memref<40x128xi32, #tpu.memory_space<vmem>>) target_semaphore(%run_scoped3A : memref<!tpu.dma_semaphore, #tpu.memory_space<semaphore_mem>>)
      %dma_wait3A_49 = arith.constant 0 : i32
      %dma_wait3A_50 = arith.constant 0 : i32
      %dma_wait3A_51 = tpu.memref_slice %arg4[%add3A, %dma_wait3A_49, %dma_wait3A_50] : memref<32x80x128xi32, #tpu.memory_space<hbm>> -> memref<1x40x128xi32, #tpu.memory_space<hbm>>
      %dma_wait3A_52 = tpu.memref_squeeze %dma_wait3A_51 : memref<1x40x128xi32, #tpu.memory_space<hbm>> -> memref<40x128xi32, #tpu.memory_space<hbm>>
      %dma_wait3A_53 = arith.constant 0 : i32
      %dma_wait3A_54 = arith.constant 0 : i32
      %dma_wait3A_55 = tpu.memref_slice %arg4[%add3A, %dma_wait3A_53, %dma_wait3A_54] : memref<32x80x128xi32, #tpu.memory_space<hbm>> -> memref<1x40x128xi32, #tpu.memory_space<hbm>>
      %dma_wait3A_56 = tpu.memref_squeeze %dma_wait3A_55 : memref<1x40x128xi32, #tpu.memory_space<hbm>> -> memref<40x128xi32, #tpu.memory_space<hbm>>
      tpu.wait_dma2 semaphore(%run_scoped3A : memref<!tpu.dma_semaphore, #tpu.memory_space<semaphore_mem>>) src(%dma_wait3A_56 : memref<40x128xi32, #tpu.memory_space<hbm>>) dst(%arg8 : memref<40x128xi32, #tpu.memory_space<vmem>>)
      tpu.yield
    }) : () -> ()
    %dma_start3A_8 = arith.constant 0 : i32
    %dma_start3A_9 = arith.constant 0 : i32
    %dma_start3A_10 = tpu.memref_slice %arg7[%dma_start3A_8, %dma_start3A_9] : memref<40x128xi32, #tpu.memory_space<vmem>> -> memref<1x128xi32, #tpu.memory_space<vmem>>
    %dma_start3A_11 = tpu.memref_squeeze %dma_start3A_10 : memref<1x128xi32, #tpu.memory_space<vmem>> -> memref<128xi32, #tpu.memory_space<vmem>>
    %dma_start3A_12 = arith.constant 0 : i32
    %dma_start3A_13 = arith.constant 0 : i32
    %dma_start3A_14 = tpu.memref_slice %arg2[%dma_start3A_12, %dma_start3A_13] : memref<10240x128xf32, #tpu.memory_space<hbm>> -> memref<10240x128xf32, #tpu.memory_space<hbm>>
    tpu.enqueue_indirect_dma source(%dma_start3A_14 : memref<10240x128xf32, #tpu.memory_space<hbm>>) target(%arg9 : memref<128x128xf32, #tpu.memory_space<vmem>>) offsets(%dma_start3A_11 : memref<128xi32, #tpu.memory_space<vmem>>) semaphore(%arg12 : memref<!tpu.dma_semaphore, #tpu.memory_space<semaphore_mem>>)
    %dma_wait3A = arith.constant 0 : i32
    %dma_wait3A_15 = tpu.memref_slice %arg11[%mul3A_4, %dma_wait3A] : memref<10240x128xf32, #tpu.memory_space<vmem_shared>> -> memref<640x128xf32, #tpu.memory_space<vmem_shared>>
    %dma_wait3A_16 = arith.constant 0 : i32
    %dma_wait3A_17 = tpu.memref_slice %arg5[%mul3A_2, %dma_wait3A_16] : memref<10240x128xf32, #tpu.memory_space<hbm>> -> memref<640x128xf32, #tpu.memory_space<hbm>>
    tpu.wait_dma2 semaphore(%arg14 : memref<!tpu.dma_semaphore, #tpu.memory_space<semaphore_mem>>) src(%dma_wait3A_17 : memref<640x128xf32, #tpu.memory_space<hbm>>) dst(%dma_wait3A_15 : memref<640x128xf32, #tpu.memory_space<vmem_shared>>)
    %barrier3A = arith.constant 0 : index
    tpu.barrier barrier_id(%barrier3A)
    %scan3A = arith.constant 0 : i32
    %scan3A_18 = arith.constant 0 : i32
    %scan3A_19 = arith.constant 20 : i32
    %scan3A_20 = arith.addi %scan3A_18, %scan3A_19 : i32
    %scan3A_21 = arith.constant 1 : i32
    scf.for %scan3A_41 = %scan3A_18 to %scan3A_20 step %scan3A_21  : i32 {
      %mul3A_42 = arith.constant 2 : i32
      %mul3A_43 = arith.muli %mul3A_42, %scan3A_41 : i32
      %add3A_44 = arith.constant 1 : i32
      %add3A_45 = arith.addi %mul3A_43, %add3A_44 : i32
      %dma_start3A_46 = arith.constant 0 : i32
      %dma_start3A_47 = tpu.memref_slice %arg7[%add3A_45, %dma_start3A_46] : memref<40x128xi32, #tpu.memory_space<vmem>> -> memref<1x128xi32, #tpu.memory_space<vmem>>
      %dma_start3A_48 = tpu.memref_squeeze %dma_start3A_47 : memref<1x128xi32, #tpu.memory_space<vmem>> -> memref<128xi32, #tpu.memory_space<vmem>>
      %dma_start3A_49 = arith.constant 0 : i32
      %dma_start3A_50 = arith.constant 0 : i32
      %dma_start3A_51 = tpu.memref_slice %arg2[%dma_start3A_49, %dma_start3A_50] : memref<10240x128xf32, #tpu.memory_space<hbm>> -> memref<10240x128xf32, #tpu.memory_space<hbm>>
      tpu.enqueue_indirect_dma source(%dma_start3A_51 : memref<10240x128xf32, #tpu.memory_space<hbm>>) target(%arg10 : memref<128x128xf32, #tpu.memory_space<vmem>>) offsets(%dma_start3A_48 : memref<128xi32, #tpu.memory_space<vmem>>) semaphore(%arg13 : memref<!tpu.dma_semaphore, #tpu.memory_space<semaphore_mem>>)
      %dma_wait3A_52 = arith.constant 0 : i32
      %dma_wait3A_53 = tpu.memref_slice %arg7[%mul3A_43, %dma_wait3A_52] : memref<40x128xi32, #tpu.memory_space<vmem>> -> memref<1x128xi32, #tpu.memory_space<vmem>>
      %dma_wait3A_54 = tpu.memref_squeeze %dma_wait3A_53 : memref<1x128xi32, #tpu.memory_space<vmem>> -> memref<128xi32, #tpu.memory_space<vmem>>
      %dma_wait3A_55 = arith.constant 0 : i32
      %dma_wait3A_56 = arith.constant 0 : i32
      %dma_wait3A_57 = tpu.memref_slice %arg2[%dma_wait3A_55, %dma_wait3A_56] : memref<10240x128xf32, #tpu.memory_space<hbm>> -> memref<10240x128xf32, #tpu.memory_space<hbm>>
      tpu.wait_indirect_dma semaphore(%arg12 : memref<!tpu.dma_semaphore, #tpu.memory_space<semaphore_mem>>) src(%dma_wait3A_57 : memref<10240x128xf32, #tpu.memory_space<hbm>>) dst(%arg9 : memref<128x128xf32, #tpu.memory_space<vmem>>)
      "tpu.region"() ({
        %run_scoped3A = tpu.sem_alloc : memref<!tpu.dma_semaphore, #tpu.memory_space<semaphore_mem>>
        %dma_start3A_72 = arith.constant 0 : i32
        %dma_start3A_73 = tpu.memref_slice %arg8[%mul3A_43, %dma_start3A_72] : memref<40x128xi32, #tpu.memory_space<vmem>> -> memref<1x128xi32, #tpu.memory_space<vmem>>
        %dma_start3A_74 = tpu.memref_squeeze %dma_start3A_73 : memref<1x128xi32, #tpu.memory_space<vmem>> -> memref<128xi32, #tpu.memory_space<vmem>>
        %dma_start3A_75 = arith.constant 0 : i32
        %dma_start3A_76 = arith.constant 0 : i32
        %dma_start3A_77 = tpu.memref_slice %arg11[%dma_start3A_75, %dma_start3A_76] : memref<10240x128xf32, #tpu.memory_space<vmem_shared>> -> memref<10240x128xf32, #tpu.memory_space<vmem_shared>>
        tpu.enqueue_indirect_dma source(%arg9 : memref<128x128xf32, #tpu.memory_space<vmem>>) target(%dma_start3A_77 : memref<10240x128xf32, #tpu.memory_space<vmem_shared>>) offsets(%dma_start3A_74 : memref<128xi32, #tpu.memory_space<vmem>>) semaphore(%run_scoped3A : memref<!tpu.dma_semaphore, #tpu.memory_space<semaphore_mem>>) {add = true}
        %dma_wait3A_78 = arith.constant 0 : i32
        %dma_wait3A_79 = tpu.memref_slice %arg8[%mul3A_43, %dma_wait3A_78] : memref<40x128xi32, #tpu.memory_space<vmem>> -> memref<1x128xi32, #tpu.memory_space<vmem>>
        %dma_wait3A_80 = tpu.memref_squeeze %dma_wait3A_79 : memref<1x128xi32, #tpu.memory_space<vmem>> -> memref<128xi32, #tpu.memory_space<vmem>>
        %dma_wait3A_81 = arith.constant 0 : i32
        %dma_wait3A_82 = arith.constant 0 : i32
        %dma_wait3A_83 = tpu.memref_slice %arg11[%dma_wait3A_81, %dma_wait3A_82] : memref<10240x128xf32, #tpu.memory_space<vmem_shared>> -> memref<10240x128xf32, #tpu.memory_space<vmem_shared>>
        tpu.wait_indirect_dma semaphore(%run_scoped3A : memref<!tpu.dma_semaphore, #tpu.memory_space<semaphore_mem>>) src(%arg9 : memref<128x128xf32, #tpu.memory_space<vmem>>) dst(%dma_wait3A_83 : memref<10240x128xf32, #tpu.memory_space<vmem_shared>>)
        tpu.yield
      }) : () -> ()
      %add3A_58 = arith.constant 1 : i32
      %add3A_59 = arith.addi %scan3A_41, %add3A_58 : i32
      %lt3A = arith.constant 20 : i32
      %lt3A_60 = arith.cmpi slt, %add3A_59, %lt3A : i32
      %convert_element_type3A = arith.extui %lt3A_60 : i1 to i32
      %cond3A = arith.constant 0 : i32
      %cond3A_61 = arith.cmpi ne, %convert_element_type3A, %cond3A : i32
      scf.if %cond3A_61 {
        %add3A_72 = arith.constant 2 : i32
        %add3A_73 = arith.addi %mul3A_43, %add3A_72 : i32
        %dma_start3A_74 = arith.constant 0 : i32
        %dma_start3A_75 = tpu.memref_slice %arg7[%add3A_73, %dma_start3A_74] : memref<40x128xi32, #tpu.memory_space<vmem>> -> memref<1x128xi32, #tpu.memory_space<vmem>>
        %dma_start3A_76 = tpu.memref_squeeze %dma_start3A_75 : memref<1x128xi32, #tpu.memory_space<vmem>> -> memref<128xi32, #tpu.memory_space<vmem>>
        %dma_start3A_77 = arith.constant 0 : i32
        %dma_start3A_78 = arith.constant 0 : i32
        %dma_start3A_79 = tpu.memref_slice %arg2[%dma_start3A_77, %dma_start3A_78] : memref<10240x128xf32, #tpu.memory_space<hbm>> -> memref<10240x128xf32, #tpu.memory_space<hbm>>
        tpu.enqueue_indirect_dma source(%dma_start3A_79 : memref<10240x128xf32, #tpu.memory_space<hbm>>) target(%arg9 : memref<128x128xf32, #tpu.memory_space<vmem>>) offsets(%dma_start3A_76 : memref<128xi32, #tpu.memory_space<vmem>>) semaphore(%arg12 : memref<!tpu.dma_semaphore, #tpu.memory_space<semaphore_mem>>)
      } else {
      }
      %add3A_62 = arith.constant 1 : i32
      %add3A_63 = arith.addi %mul3A_43, %add3A_62 : i32
      %dma_wait3A_64 = arith.constant 0 : i32
      %dma_wait3A_65 = tpu.memref_slice %arg7[%add3A_63, %dma_wait3A_64] : memref<40x128xi32, #tpu.memory_space<vmem>> -> memref<1x128xi32, #tpu.memory_space<vmem>>
      %dma_wait3A_66 = tpu.memref_squeeze %dma_wait3A_65 : memref<1x128xi32, #tpu.memory_space<vmem>> -> memref<128xi32, #tpu.memory_space<vmem>>
      %dma_wait3A_67 = arith.constant 0 : i32
      %dma_wait3A_68 = arith.constant 0 : i32
      %dma_wait3A_69 = tpu.memref_slice %arg2[%dma_wait3A_67, %dma_wait3A_68] : memref<10240x128xf32, #tpu.memory_space<hbm>> -> memref<10240x128xf32, #tpu.memory_space<hbm>>
      tpu.wait_indirect_dma semaphore(%arg13 : memref<!tpu.dma_semaphore, #tpu.memory_space<semaphore_mem>>) src(%dma_wait3A_69 : memref<10240x128xf32, #tpu.memory_space<hbm>>) dst(%arg10 : memref<128x128xf32, #tpu.memory_space<vmem>>)
      %add3A_70 = arith.constant 1 : i32
      %add3A_71 = arith.addi %mul3A_43, %add3A_70 : i32
      "tpu.region"() ({
        %run_scoped3A = tpu.sem_alloc : memref<!tpu.dma_semaphore, #tpu.memory_space<semaphore_mem>>
        %dma_start3A_72 = arith.constant 0 : i32
        %dma_start3A_73 = tpu.memref_slice %arg8[%add3A_71, %dma_start3A_72] : memref<40x128xi32, #tpu.memory_space<vmem>> -> memref<1x128xi32, #tpu.memory_space<vmem>>
        %dma_start3A_74 = tpu.memref_squeeze %dma_start3A_73 : memref<1x128xi32, #tpu.memory_space<vmem>> -> memref<128xi32, #tpu.memory_space<vmem>>
        %dma_start3A_75 = arith.constant 0 : i32
        %dma_start3A_76 = arith.constant 0 : i32
        %dma_start3A_77 = tpu.memref_slice %arg11[%dma_start3A_75, %dma_start3A_76] : memref<10240x128xf32, #tpu.memory_space<vmem_shared>> -> memref<10240x128xf32, #tpu.memory_space<vmem_shared>>
        tpu.enqueue_indirect_dma source(%arg10 : memref<128x128xf32, #tpu.memory_space<vmem>>) target(%dma_start3A_77 : memref<10240x128xf32, #tpu.memory_space<vmem_shared>>) offsets(%dma_start3A_74 : memref<128xi32, #tpu.memory_space<vmem>>) semaphore(%run_scoped3A : memref<!tpu.dma_semaphore, #tpu.memory_space<semaphore_mem>>) {add = true}
        %dma_wait3A_78 = arith.constant 0 : i32
        %dma_wait3A_79 = tpu.memref_slice %arg8[%add3A_71, %dma_wait3A_78] : memref<40x128xi32, #tpu.memory_space<vmem>> -> memref<1x128xi32, #tpu.memory_space<vmem>>
        %dma_wait3A_80 = tpu.memref_squeeze %dma_wait3A_79 : memref<1x128xi32, #tpu.memory_space<vmem>> -> memref<128xi32, #tpu.memory_space<vmem>>
        %dma_wait3A_81 = arith.constant 0 : i32
        %dma_wait3A_82 = arith.constant 0 : i32
        %dma_wait3A_83 = tpu.memref_slice %arg11[%dma_wait3A_81, %dma_wait3A_82] : memref<10240x128xf32, #tpu.memory_space<vmem_shared>> -> memref<10240x128xf32, #tpu.memory_space<vmem_shared>>
        tpu.wait_indirect_dma semaphore(%run_scoped3A : memref<!tpu.dma_semaphore, #tpu.memory_space<semaphore_mem>>) src(%arg10 : memref<128x128xf32, #tpu.memory_space<vmem>>) dst(%dma_wait3A_83 : memref<10240x128xf32, #tpu.memory_space<vmem_shared>>)
        tpu.yield
      }) : () -> ()
    }
    %scan3A_22 = arith.constant 20 : i32
    "tpu.region"() ({
      %run_scoped3A = tpu.sem_alloc : memref<!tpu.dma_semaphore, #tpu.memory_space<semaphore_mem>>
      %dma_start3A_41 = arith.constant 40 : i32
      %dma_start3A_42 = arith.constant 0 : i32
      %dma_start3A_43 = tpu.memref_slice %arg3[%add3A, %dma_start3A_41, %dma_start3A_42] : memref<32x80x128xi32, #tpu.memory_space<hbm>> -> memref<1x40x128xi32, #tpu.memory_space<hbm>>
      %dma_start3A_44 = tpu.memref_squeeze %dma_start3A_43 : memref<1x40x128xi32, #tpu.memory_space<hbm>> -> memref<40x128xi32, #tpu.memory_space<hbm>>
      %dma_start3A_45 = arith.constant 40 : i32
      %dma_start3A_46 = arith.constant 0 : i32
      %dma_start3A_47 = tpu.memref_slice %arg3[%add3A, %dma_start3A_45, %dma_start3A_46] : memref<32x80x128xi32, #tpu.memory_space<hbm>> -> memref<1x40x128xi32, #tpu.memory_space<hbm>>
      %dma_start3A_48 = tpu.memref_squeeze %dma_start3A_47 : memref<1x40x128xi32, #tpu.memory_space<hbm>> -> memref<40x128xi32, #tpu.memory_space<hbm>>
      tpu.enqueue_dma source(%dma_start3A_48 : memref<40x128xi32, #tpu.memory_space<hbm>>) target(%arg7 : memref<40x128xi32, #tpu.memory_space<vmem>>) target_semaphore(%run_scoped3A : memref<!tpu.dma_semaphore, #tpu.memory_space<semaphore_mem>>)
      %dma_wait3A_49 = arith.constant 40 : i32
      %dma_wait3A_50 = arith.constant 0 : i32
      %dma_wait3A_51 = tpu.memref_slice %arg3[%add3A, %dma_wait3A_49, %dma_wait3A_50] : memref<32x80x128xi32, #tpu.memory_space<hbm>> -> memref<1x40x128xi32, #tpu.memory_space<hbm>>
      %dma_wait3A_52 = tpu.memref_squeeze %dma_wait3A_51 : memref<1x40x128xi32, #tpu.memory_space<hbm>> -> memref<40x128xi32, #tpu.memory_space<hbm>>
      %dma_wait3A_53 = arith.constant 40 : i32
      %dma_wait3A_54 = arith.constant 0 : i32
      %dma_wait3A_55 = tpu.memref_slice %arg3[%add3A, %dma_wait3A_53, %dma_wait3A_54] : memref<32x80x128xi32, #tpu.memory_space<hbm>> -> memref<1x40x128xi32, #tpu.memory_space<hbm>>
      %dma_wait3A_56 = tpu.memref_squeeze %dma_wait3A_55 : memref<1x40x128xi32, #tpu.memory_space<hbm>> -> memref<40x128xi32, #tpu.memory_space<hbm>>
      tpu.wait_dma2 semaphore(%run_scoped3A : memref<!tpu.dma_semaphore, #tpu.memory_space<semaphore_mem>>) src(%dma_wait3A_56 : memref<40x128xi32, #tpu.memory_space<hbm>>) dst(%arg7 : memref<40x128xi32, #tpu.memory_space<vmem>>)
      tpu.yield
    }) : () -> ()
    "tpu.region"() ({
      %run_scoped3A = tpu.sem_alloc : memref<!tpu.dma_semaphore, #tpu.memory_space<semaphore_mem>>
      %dma_start3A_41 = arith.constant 40 : i32
      %dma_start3A_42 = arith.constant 0 : i32
      %dma_start3A_43 = tpu.memref_slice %arg4[%add3A, %dma_start3A_41, %dma_start3A_42] : memref<32x80x128xi32, #tpu.memory_space<hbm>> -> memref<1x40x128xi32, #tpu.memory_space<hbm>>
      %dma_start3A_44 = tpu.memref_squeeze %dma_start3A_43 : memref<1x40x128xi32, #tpu.memory_space<hbm>> -> memref<40x128xi32, #tpu.memory_space<hbm>>
      %dma_start3A_45 = arith.constant 40 : i32
      %dma_start3A_46 = arith.constant 0 : i32
      %dma_start3A_47 = tpu.memref_slice %arg4[%add3A, %dma_start3A_45, %dma_start3A_46] : memref<32x80x128xi32, #tpu.memory_space<hbm>> -> memref<1x40x128xi32, #tpu.memory_space<hbm>>
      %dma_start3A_48 = tpu.memref_squeeze %dma_start3A_47 : memref<1x40x128xi32, #tpu.memory_space<hbm>> -> memref<40x128xi32, #tpu.memory_space<hbm>>
      tpu.enqueue_dma source(%dma_start3A_48 : memref<40x128xi32, #tpu.memory_space<hbm>>) target(%arg8 : memref<40x128xi32, #tpu.memory_space<vmem>>) target_semaphore(%run_scoped3A : memref<!tpu.dma_semaphore, #tpu.memory_space<semaphore_mem>>)
      %dma_wait3A_49 = arith.constant 40 : i32
      %dma_wait3A_50 = arith.constant 0 : i32
      %dma_wait3A_51 = tpu.memref_slice %arg4[%add3A, %dma_wait3A_49, %dma_wait3A_50] : memref<32x80x128xi32, #tpu.memory_space<hbm>> -> memref<1x40x128xi32, #tpu.memory_space<hbm>>
      %dma_wait3A_52 = tpu.memref_squeeze %dma_wait3A_51 : memref<1x40x128xi32, #tpu.memory_space<hbm>> -> memref<40x128xi32, #tpu.memory_space<hbm>>
      %dma_wait3A_53 = arith.constant 40 : i32
      %dma_wait3A_54 = arith.constant 0 : i32
      %dma_wait3A_55 = tpu.memref_slice %arg4[%add3A, %dma_wait3A_53, %dma_wait3A_54] : memref<32x80x128xi32, #tpu.memory_space<hbm>> -> memref<1x40x128xi32, #tpu.memory_space<hbm>>
      %dma_wait3A_56 = tpu.memref_squeeze %dma_wait3A_55 : memref<1x40x128xi32, #tpu.memory_space<hbm>> -> memref<40x128xi32, #tpu.memory_space<hbm>>
      tpu.wait_dma2 semaphore(%run_scoped3A : memref<!tpu.dma_semaphore, #tpu.memory_space<semaphore_mem>>) src(%dma_wait3A_56 : memref<40x128xi32, #tpu.memory_space<hbm>>) dst(%arg8 : memref<40x128xi32, #tpu.memory_space<vmem>>)
      tpu.yield
    }) : () -> ()
    %dma_start3A_23 = arith.constant 0 : i32
    %dma_start3A_24 = arith.constant 0 : i32
    %dma_start3A_25 = tpu.memref_slice %arg7[%dma_start3A_23, %dma_start3A_24] : memref<40x128xi32, #tpu.memory_space<vmem>> -> memref<1x128xi32, #tpu.memory_space<vmem>>
    %dma_start3A_26 = tpu.memref_squeeze %dma_start3A_25 : memref<1x128xi32, #tpu.memory_space<vmem>> -> memref<128xi32, #tpu.memory_space<vmem>>
    %dma_start3A_27 = arith.constant 0 : i32
    %dma_start3A_28 = arith.constant 0 : i32
    %dma_start3A_29 = tpu.memref_slice %arg2[%dma_start3A_27, %dma_start3A_28] : memref<10240x128xf32, #tpu.memory_space<hbm>> -> memref<10240x128xf32, #tpu.memory_space<hbm>>
    tpu.enqueue_indirect_dma source(%dma_start3A_29 : memref<10240x128xf32, #tpu.memory_space<hbm>>) target(%arg9 : memref<128x128xf32, #tpu.memory_space<vmem>>) offsets(%dma_start3A_26 : memref<128xi32, #tpu.memory_space<vmem>>) semaphore(%arg12 : memref<!tpu.dma_semaphore, #tpu.memory_space<semaphore_mem>>)
    %scan3A_30 = arith.constant 0 : i32
    %scan3A_31 = arith.constant 0 : i32
    %scan3A_32 = arith.constant 20 : i32
    %scan3A_33 = arith.addi %scan3A_31, %scan3A_32 : i32
    %scan3A_34 = arith.constant 1 : i32
    scf.for %scan3A_41 = %scan3A_31 to %scan3A_33 step %scan3A_34  : i32 {
      %mul3A_42 = arith.constant 2 : i32
      %mul3A_43 = arith.muli %mul3A_42, %scan3A_41 : i32
      %add3A_44 = arith.constant 1 : i32
      %add3A_45 = arith.addi %mul3A_43, %add3A_44 : i32
      %dma_start3A_46 = arith.constant 0 : i32
      %dma_start3A_47 = tpu.memref_slice %arg7[%add3A_45, %dma_start3A_46] : memref<40x128xi32, #tpu.memory_space<vmem>> -> memref<1x128xi32, #tpu.memory_space<vmem>>
      %dma_start3A_48 = tpu.memref_squeeze %dma_start3A_47 : memref<1x128xi32, #tpu.memory_space<vmem>> -> memref<128xi32, #tpu.memory_space<vmem>>
      %dma_start3A_49 = arith.constant 0 : i32
      %dma_start3A_50 = arith.constant 0 : i32
      %dma_start3A_51 = tpu.memref_slice %arg2[%dma_start3A_49, %dma_start3A_50] : memref<10240x128xf32, #tpu.memory_space<hbm>> -> memref<10240x128xf32, #tpu.memory_space<hbm>>
      tpu.enqueue_indirect_dma source(%dma_start3A_51 : memref<10240x128xf32, #tpu.memory_space<hbm>>) target(%arg10 : memref<128x128xf32, #tpu.memory_space<vmem>>) offsets(%dma_start3A_48 : memref<128xi32, #tpu.memory_space<vmem>>) semaphore(%arg13 : memref<!tpu.dma_semaphore, #tpu.memory_space<semaphore_mem>>)
      %dma_wait3A_52 = arith.constant 0 : i32
      %dma_wait3A_53 = tpu.memref_slice %arg7[%mul3A_43, %dma_wait3A_52] : memref<40x128xi32, #tpu.memory_space<vmem>> -> memref<1x128xi32, #tpu.memory_space<vmem>>
      %dma_wait3A_54 = tpu.memref_squeeze %dma_wait3A_53 : memref<1x128xi32, #tpu.memory_space<vmem>> -> memref<128xi32, #tpu.memory_space<vmem>>
      %dma_wait3A_55 = arith.constant 0 : i32
      %dma_wait3A_56 = arith.constant 0 : i32
      %dma_wait3A_57 = tpu.memref_slice %arg2[%dma_wait3A_55, %dma_wait3A_56] : memref<10240x128xf32, #tpu.memory_space<hbm>> -> memref<10240x128xf32, #tpu.memory_space<hbm>>
      tpu.wait_indirect_dma semaphore(%arg12 : memref<!tpu.dma_semaphore, #tpu.memory_space<semaphore_mem>>) src(%dma_wait3A_57 : memref<10240x128xf32, #tpu.memory_space<hbm>>) dst(%arg9 : memref<128x128xf32, #tpu.memory_space<vmem>>)
      "tpu.region"() ({
        %run_scoped3A = tpu.sem_alloc : memref<!tpu.dma_semaphore, #tpu.memory_space<semaphore_mem>>
        %dma_start3A_72 = arith.constant 0 : i32
        %dma_start3A_73 = tpu.memref_slice %arg8[%mul3A_43, %dma_start3A_72] : memref<40x128xi32, #tpu.memory_space<vmem>> -> memref<1x128xi32, #tpu.memory_space<vmem>>
        %dma_start3A_74 = tpu.memref_squeeze %dma_start3A_73 : memref<1x128xi32, #tpu.memory_space<vmem>> -> memref<128xi32, #tpu.memory_space<vmem>>
        %dma_start3A_75 = arith.constant 0 : i32
        %dma_start3A_76 = arith.constant 0 : i32
        %dma_start3A_77 = tpu.memref_slice %arg11[%dma_start3A_75, %dma_start3A_76] : memref<10240x128xf32, #tpu.memory_space<vmem_shared>> -> memref<10240x128xf32, #tpu.memory_space<vmem_shared>>
        tpu.enqueue_indirect_dma source(%arg9 : memref<128x128xf32, #tpu.memory_space<vmem>>) target(%dma_start3A_77 : memref<10240x128xf32, #tpu.memory_space<vmem_shared>>) offsets(%dma_start3A_74 : memref<128xi32, #tpu.memory_space<vmem>>) semaphore(%run_scoped3A : memref<!tpu.dma_semaphore, #tpu.memory_space<semaphore_mem>>) {add = true}
        %dma_wait3A_78 = arith.constant 0 : i32
        %dma_wait3A_79 = tpu.memref_slice %arg8[%mul3A_43, %dma_wait3A_78] : memref<40x128xi32, #tpu.memory_space<vmem>> -> memref<1x128xi32, #tpu.memory_space<vmem>>
        %dma_wait3A_80 = tpu.memref_squeeze %dma_wait3A_79 : memref<1x128xi32, #tpu.memory_space<vmem>> -> memref<128xi32, #tpu.memory_space<vmem>>
        %dma_wait3A_81 = arith.constant 0 : i32
        %dma_wait3A_82 = arith.constant 0 : i32
        %dma_wait3A_83 = tpu.memref_slice %arg11[%dma_wait3A_81, %dma_wait3A_82] : memref<10240x128xf32, #tpu.memory_space<vmem_shared>> -> memref<10240x128xf32, #tpu.memory_space<vmem_shared>>
        tpu.wait_indirect_dma semaphore(%run_scoped3A : memref<!tpu.dma_semaphore, #tpu.memory_space<semaphore_mem>>) src(%arg9 : memref<128x128xf32, #tpu.memory_space<vmem>>) dst(%dma_wait3A_83 : memref<10240x128xf32, #tpu.memory_space<vmem_shared>>)
        tpu.yield
      }) : () -> ()
      %add3A_58 = arith.constant 1 : i32
      %add3A_59 = arith.addi %scan3A_41, %add3A_58 : i32
      %lt3A = arith.constant 20 : i32
      %lt3A_60 = arith.cmpi slt, %add3A_59, %lt3A : i32
      %convert_element_type3A = arith.extui %lt3A_60 : i1 to i32
      %cond3A = arith.constant 0 : i32
      %cond3A_61 = arith.cmpi ne, %convert_element_type3A, %cond3A : i32
      scf.if %cond3A_61 {
        %add3A_72 = arith.constant 2 : i32
        %add3A_73 = arith.addi %mul3A_43, %add3A_72 : i32
        %dma_start3A_74 = arith.constant 0 : i32
        %dma_start3A_75 = tpu.memref_slice %arg7[%add3A_73, %dma_start3A_74] : memref<40x128xi32, #tpu.memory_space<vmem>> -> memref<1x128xi32, #tpu.memory_space<vmem>>
        %dma_start3A_76 = tpu.memref_squeeze %dma_start3A_75 : memref<1x128xi32, #tpu.memory_space<vmem>> -> memref<128xi32, #tpu.memory_space<vmem>>
        %dma_start3A_77 = arith.constant 0 : i32
        %dma_start3A_78 = arith.constant 0 : i32
        %dma_start3A_79 = tpu.memref_slice %arg2[%dma_start3A_77, %dma_start3A_78] : memref<10240x128xf32, #tpu.memory_space<hbm>> -> memref<10240x128xf32, #tpu.memory_space<hbm>>
        tpu.enqueue_indirect_dma source(%dma_start3A_79 : memref<10240x128xf32, #tpu.memory_space<hbm>>) target(%arg9 : memref<128x128xf32, #tpu.memory_space<vmem>>) offsets(%dma_start3A_76 : memref<128xi32, #tpu.memory_space<vmem>>) semaphore(%arg12 : memref<!tpu.dma_semaphore, #tpu.memory_space<semaphore_mem>>)
      } else {
      }
      %add3A_62 = arith.constant 1 : i32
      %add3A_63 = arith.addi %mul3A_43, %add3A_62 : i32
      %dma_wait3A_64 = arith.constant 0 : i32
      %dma_wait3A_65 = tpu.memref_slice %arg7[%add3A_63, %dma_wait3A_64] : memref<40x128xi32, #tpu.memory_space<vmem>> -> memref<1x128xi32, #tpu.memory_space<vmem>>
      %dma_wait3A_66 = tpu.memref_squeeze %dma_wait3A_65 : memref<1x128xi32, #tpu.memory_space<vmem>> -> memref<128xi32, #tpu.memory_space<vmem>>
      %dma_wait3A_67 = arith.constant 0 : i32
      %dma_wait3A_68 = arith.constant 0 : i32
      %dma_wait3A_69 = tpu.memref_slice %arg2[%dma_wait3A_67, %dma_wait3A_68] : memref<10240x128xf32, #tpu.memory_space<hbm>> -> memref<10240x128xf32, #tpu.memory_space<hbm>>
      tpu.wait_indirect_dma semaphore(%arg13 : memref<!tpu.dma_semaphore, #tpu.memory_space<semaphore_mem>>) src(%dma_wait3A_69 : memref<10240x128xf32, #tpu.memory_space<hbm>>) dst(%arg10 : memref<128x128xf32, #tpu.memory_space<vmem>>)
      %add3A_70 = arith.constant 1 : i32
      %add3A_71 = arith.addi %mul3A_43, %add3A_70 : i32
      "tpu.region"() ({
        %run_scoped3A = tpu.sem_alloc : memref<!tpu.dma_semaphore, #tpu.memory_space<semaphore_mem>>
        %dma_start3A_72 = arith.constant 0 : i32
        %dma_start3A_73 = tpu.memref_slice %arg8[%add3A_71, %dma_start3A_72] : memref<40x128xi32, #tpu.memory_space<vmem>> -> memref<1x128xi32, #tpu.memory_space<vmem>>
        %dma_start3A_74 = tpu.memref_squeeze %dma_start3A_73 : memref<1x128xi32, #tpu.memory_space<vmem>> -> memref<128xi32, #tpu.memory_space<vmem>>
        %dma_start3A_75 = arith.constant 0 : i32
        %dma_start3A_76 = arith.constant 0 : i32
        %dma_start3A_77 = tpu.memref_slice %arg11[%dma_start3A_75, %dma_start3A_76] : memref<10240x128xf32, #tpu.memory_space<vmem_shared>> -> memref<10240x128xf32, #tpu.memory_space<vmem_shared>>
        tpu.enqueue_indirect_dma source(%arg10 : memref<128x128xf32, #tpu.memory_space<vmem>>) target(%dma_start3A_77 : memref<10240x128xf32, #tpu.memory_space<vmem_shared>>) offsets(%dma_start3A_74 : memref<128xi32, #tpu.memory_space<vmem>>) semaphore(%run_scoped3A : memref<!tpu.dma_semaphore, #tpu.memory_space<semaphore_mem>>) {add = true}
        %dma_wait3A_78 = arith.constant 0 : i32
        %dma_wait3A_79 = tpu.memref_slice %arg8[%add3A_71, %dma_wait3A_78] : memref<40x128xi32, #tpu.memory_space<vmem>> -> memref<1x128xi32, #tpu.memory_space<vmem>>
        %dma_wait3A_80 = tpu.memref_squeeze %dma_wait3A_79 : memref<1x128xi32, #tpu.memory_space<vmem>> -> memref<128xi32, #tpu.memory_space<vmem>>
        %dma_wait3A_81 = arith.constant 0 : i32
        %dma_wait3A_82 = arith.constant 0 : i32
        %dma_wait3A_83 = tpu.memref_slice %arg11[%dma_wait3A_81, %dma_wait3A_82] : memref<10240x128xf32, #tpu.memory_space<vmem_shared>> -> memref<10240x128xf32, #tpu.memory_space<vmem_shared>>
        tpu.wait_indirect_dma semaphore(%run_scoped3A : memref<!tpu.dma_semaphore, #tpu.memory_space<semaphore_mem>>) src(%arg10 : memref<128x128xf32, #tpu.memory_space<vmem>>) dst(%dma_wait3A_83 : memref<10240x128xf32, #tpu.memory_space<vmem_shared>>)
        tpu.yield
      }) : () -> ()
    }
    %scan3A_35 = arith.constant 20 : i32
    %barrier3A_36 = arith.constant 0 : index
    tpu.barrier barrier_id(%barrier3A_36)
    %mul3A_37 = arith.constant 640 : i32
    %mul3A_38 = arith.muli %arg1, %mul3A_37 : i32
    %mul3A_39 = arith.constant 640 : i32
    %mul3A_40 = arith.muli %arg1, %mul3A_39 : i32
    "tpu.region"() ({
      %run_scoped3A = tpu.sem_alloc : memref<!tpu.dma_semaphore, #tpu.memory_space<semaphore_mem>>
      %dma_start3A_41 = arith.constant 0 : i32
      %dma_start3A_42 = tpu.memref_slice %arg6[%arg0, %mul3A_40, %dma_start3A_41] : memref<2x10240x128xf32, #tpu.memory_space<hbm>> -> memref<1x640x128xf32, #tpu.memory_space<hbm>>
      %dma_start3A_43 = tpu.memref_squeeze %dma_start3A_42 : memref<1x640x128xf32, #tpu.memory_space<hbm>> -> memref<640x128xf32, #tpu.memory_space<hbm>>
      %dma_start3A_44 = arith.constant 0 : i32
      %dma_start3A_45 = tpu.memref_slice %arg11[%mul3A_38, %dma_start3A_44] : memref<10240x128xf32, #tpu.memory_space<vmem_shared>> -> memref<640x128xf32, #tpu.memory_space<vmem_shared>>
      tpu.enqueue_dma source(%dma_start3A_45 : memref<640x128xf32, #tpu.memory_space<vmem_shared>>) target(%dma_start3A_43 : memref<640x128xf32, #tpu.memory_space<hbm>>) target_semaphore(%run_scoped3A : memref<!tpu.dma_semaphore, #tpu.memory_space<semaphore_mem>>)
      %dma_wait3A_46 = arith.constant 0 : i32
      %dma_wait3A_47 = tpu.memref_slice %arg6[%arg0, %mul3A_40, %dma_wait3A_46] : memref<2x10240x128xf32, #tpu.memory_space<hbm>> -> memref<1x640x128xf32, #tpu.memory_space<hbm>>
      %dma_wait3A_48 = tpu.memref_squeeze %dma_wait3A_47 : memref<1x640x128xf32, #tpu.memory_space<hbm>> -> memref<640x128xf32, #tpu.memory_space<hbm>>
      %dma_wait3A_49 = arith.constant 0 : i32
      %dma_wait3A_50 = tpu.memref_slice %arg11[%mul3A_38, %dma_wait3A_49] : memref<10240x128xf32, #tpu.memory_space<vmem_shared>> -> memref<640x128xf32, #tpu.memory_space<vmem_shared>>
      tpu.wait_dma2 semaphore(%run_scoped3A : memref<!tpu.dma_semaphore, #tpu.memory_space<semaphore_mem>>) src(%dma_wait3A_50 : memref<640x128xf32, #tpu.memory_space<vmem_shared>>) dst(%dma_wait3A_48 : memref<640x128xf32, #tpu.memory_space<hbm>>)
      tpu.yield
    }) : () -> ()
    return
  }
}

#map = affine_map<(d0, d1) -> (0, 0, 0)>
#map1 = affine_map<(d0, d1) -> (0)>
#map2 = affine_map<(d0, d1) -> (0, 0)>
module attributes {stable_mosaic.version = 14 : i64} {
  func.func @_deg_body(%arg0: i32, %arg1: i32, %arg2: memref<32x80x128xi32, #tpu.memory_space<hbm>>, %arg3: memref<10240xf32, #tpu.memory_space<hbm>>, %arg4: memref<2x10240xf32, #tpu.memory_space<hbm>>, %arg5: memref<80x128xi32, #tpu.memory_space<vmem>>, %arg6: memref<128xf32, #tpu.memory_space<vmem>>, %arg7: memref<10240xf32, #tpu.memory_space<vmem_shared>>) attributes {dimension_semantics = [#tpu.dimension_semantics<core_parallel>, #tpu.dimension_semantics<subcore_parallel>], iteration_bounds = array<i64: 2, 16>, scalar_prefetch = 0 : i64, scratch_operands = 3 : i64, tpu.core_type = #tpu.core_type<sc_vector_subcore>, window_params = [{transform_indices = #map}, {transform_indices = #map1}, {transform_indices = #map2}]} {
    %mul3A = arith.constant 16 : i32
    %mul3A_0 = arith.muli %arg0, %mul3A : i32
    %add3A = arith.addi %mul3A_0, %arg1 : i32
    "tpu.region"() ({
      %run_scoped3A = tpu.sem_alloc : memref<!tpu.dma_semaphore, #tpu.memory_space<semaphore_mem>>
      %dma_start3A = arith.constant 0 : i32
      %dma_start3A_61 = arith.constant 0 : i32
      %dma_start3A_62 = tpu.memref_slice %arg2[%add3A, %dma_start3A, %dma_start3A_61] : memref<32x80x128xi32, #tpu.memory_space<hbm>> -> memref<1x80x128xi32, #tpu.memory_space<hbm>>
      %dma_start3A_63 = tpu.memref_squeeze %dma_start3A_62 : memref<1x80x128xi32, #tpu.memory_space<hbm>> -> memref<80x128xi32, #tpu.memory_space<hbm>>
      %dma_start3A_64 = arith.constant 0 : i32
      %dma_start3A_65 = arith.constant 0 : i32
      %dma_start3A_66 = tpu.memref_slice %arg2[%add3A, %dma_start3A_64, %dma_start3A_65] : memref<32x80x128xi32, #tpu.memory_space<hbm>> -> memref<1x80x128xi32, #tpu.memory_space<hbm>>
      %dma_start3A_67 = tpu.memref_squeeze %dma_start3A_66 : memref<1x80x128xi32, #tpu.memory_space<hbm>> -> memref<80x128xi32, #tpu.memory_space<hbm>>
      tpu.enqueue_dma source(%dma_start3A_67 : memref<80x128xi32, #tpu.memory_space<hbm>>) target(%arg5 : memref<80x128xi32, #tpu.memory_space<vmem>>) target_semaphore(%run_scoped3A : memref<!tpu.dma_semaphore, #tpu.memory_space<semaphore_mem>>)
      %dma_wait3A = arith.constant 0 : i32
      %dma_wait3A_68 = arith.constant 0 : i32
      %dma_wait3A_69 = tpu.memref_slice %arg2[%add3A, %dma_wait3A, %dma_wait3A_68] : memref<32x80x128xi32, #tpu.memory_space<hbm>> -> memref<1x80x128xi32, #tpu.memory_space<hbm>>
      %dma_wait3A_70 = tpu.memref_squeeze %dma_wait3A_69 : memref<1x80x128xi32, #tpu.memory_space<hbm>> -> memref<80x128xi32, #tpu.memory_space<hbm>>
      %dma_wait3A_71 = arith.constant 0 : i32
      %dma_wait3A_72 = arith.constant 0 : i32
      %dma_wait3A_73 = tpu.memref_slice %arg2[%add3A, %dma_wait3A_71, %dma_wait3A_72] : memref<32x80x128xi32, #tpu.memory_space<hbm>> -> memref<1x80x128xi32, #tpu.memory_space<hbm>>
      %dma_wait3A_74 = tpu.memref_squeeze %dma_wait3A_73 : memref<1x80x128xi32, #tpu.memory_space<hbm>> -> memref<80x128xi32, #tpu.memory_space<hbm>>
      tpu.wait_dma2 semaphore(%run_scoped3A : memref<!tpu.dma_semaphore, #tpu.memory_space<semaphore_mem>>) src(%dma_wait3A_74 : memref<80x128xi32, #tpu.memory_space<hbm>>) dst(%arg5 : memref<80x128xi32, #tpu.memory_space<vmem>>)
      tpu.yield
    }) : () -> ()
    %mul3A_1 = arith.constant 640 : i32
    %mul3A_2 = arith.muli %arg1, %mul3A_1 : i32
    %mul3A_3 = arith.constant 640 : i32
    %mul3A_4 = arith.muli %arg1, %mul3A_3 : i32
    "tpu.region"() ({
      %run_scoped3A = tpu.sem_alloc : memref<!tpu.dma_semaphore, #tpu.memory_space<semaphore_mem>>
      %dma_start3A = tpu.memref_slice %arg7[%mul3A_4] : memref<10240xf32, #tpu.memory_space<vmem_shared>> -> memref<640xf32, #tpu.memory_space<vmem_shared>>
      %dma_start3A_61 = tpu.memref_slice %arg3[%mul3A_2] : memref<10240xf32, #tpu.memory_space<hbm>> -> memref<640xf32, #tpu.memory_space<hbm>>
      tpu.enqueue_dma source(%dma_start3A_61 : memref<640xf32, #tpu.memory_space<hbm>>) target(%dma_start3A : memref<640xf32, #tpu.memory_space<vmem_shared>>) target_semaphore(%run_scoped3A : memref<!tpu.dma_semaphore, #tpu.memory_space<semaphore_mem>>)
      %dma_wait3A = tpu.memref_slice %arg7[%mul3A_4] : memref<10240xf32, #tpu.memory_space<vmem_shared>> -> memref<640xf32, #tpu.memory_space<vmem_shared>>
      %dma_wait3A_62 = tpu.memref_slice %arg3[%mul3A_2] : memref<10240xf32, #tpu.memory_space<hbm>> -> memref<640xf32, #tpu.memory_space<hbm>>
      tpu.wait_dma2 semaphore(%run_scoped3A : memref<!tpu.dma_semaphore, #tpu.memory_space<semaphore_mem>>) src(%dma_wait3A_62 : memref<640xf32, #tpu.memory_space<hbm>>) dst(%dma_wait3A : memref<640xf32, #tpu.memory_space<vmem_shared>>)
      tpu.yield
    }) : () -> ()
    %broadcast_in_dim3A = arith.constant 1.000000e+00 : f32
    %broadcast_in_dim3A_5 = vector.broadcast %broadcast_in_dim3A : f32 to vector<16xf32>
    %swap3A = arith.constant 0 : index
    %swap3A_6 = tpu.vector_load %arg6[%swap3A] {strides = array<i32>} : memref<128xf32, #tpu.memory_space<vmem>>, vector<16xf32>,
    %swap3A_7 = vector.shape_cast %swap3A_6 : vector<16xf32> to vector<16xf32>
    %swap3A_8 = vector.shape_cast %broadcast_in_dim3A_5 : vector<16xf32> to vector<16xf32>
    tpu.vector_store %arg6[%swap3A], %swap3A_8 {strides = array<i32>} : memref<128xf32, #tpu.memory_space<vmem>>, vector<16xf32>,
    %broadcast_in_dim3A_9 = arith.constant 1.000000e+00 : f32
    %broadcast_in_dim3A_10 = vector.broadcast %broadcast_in_dim3A_9 : f32 to vector<16xf32>
    %swap3A_11 = arith.constant 16 : index
    %swap3A_12 = tpu.vector_load %arg6[%swap3A_11] {strides = array<i32>} : memref<128xf32, #tpu.memory_space<vmem>>, vector<16xf32>,
    %swap3A_13 = vector.shape_cast %swap3A_12 : vector<16xf32> to vector<16xf32>
    %swap3A_14 = vector.shape_cast %broadcast_in_dim3A_10 : vector<16xf32> to vector<16xf32>
    tpu.vector_store %arg6[%swap3A_11], %swap3A_14 {strides = array<i32>} : memref<128xf32, #tpu.memory_space<vmem>>, vector<16xf32>,
    %broadcast_in_dim3A_15 = arith.constant 1.000000e+00 : f32
    %broadcast_in_dim3A_16 = vector.broadcast %broadcast_in_dim3A_15 : f32 to vector<16xf32>
    %swap3A_17 = arith.constant 32 : index
    %swap3A_18 = tpu.vector_load %arg6[%swap3A_17] {strides = array<i32>} : memref<128xf32, #tpu.memory_space<vmem>>, vector<16xf32>,
    %swap3A_19 = vector.shape_cast %swap3A_18 : vector<16xf32> to vector<16xf32>
    %swap3A_20 = vector.shape_cast %broadcast_in_dim3A_16 : vector<16xf32> to vector<16xf32>
    tpu.vector_store %arg6[%swap3A_17], %swap3A_20 {strides = array<i32>} : memref<128xf32, #tpu.memory_space<vmem>>, vector<16xf32>,
    %broadcast_in_dim3A_21 = arith.constant 1.000000e+00 : f32
    %broadcast_in_dim3A_22 = vector.broadcast %broadcast_in_dim3A_21 : f32 to vector<16xf32>
    %swap3A_23 = arith.constant 48 : index
    %swap3A_24 = tpu.vector_load %arg6[%swap3A_23] {strides = array<i32>} : memref<128xf32, #tpu.memory_space<vmem>>, vector<16xf32>,
    %swap3A_25 = vector.shape_cast %swap3A_24 : vector<16xf32> to vector<16xf32>
    %swap3A_26 = vector.shape_cast %broadcast_in_dim3A_22 : vector<16xf32> to vector<16xf32>
    tpu.vector_store %arg6[%swap3A_23], %swap3A_26 {strides = array<i32>} : memref<128xf32, #tpu.memory_space<vmem>>, vector<16xf32>,
    %broadcast_in_dim3A_27 = arith.constant 1.000000e+00 : f32
    %broadcast_in_dim3A_28 = vector.broadcast %broadcast_in_dim3A_27 : f32 to vector<16xf32>
    %swap3A_29 = arith.constant 64 : index
    %swap3A_30 = tpu.vector_load %arg6[%swap3A_29] {strides = array<i32>} : memref<128xf32, #tpu.memory_space<vmem>>, vector<16xf32>,
    %swap3A_31 = vector.shape_cast %swap3A_30 : vector<16xf32> to vector<16xf32>
    %swap3A_32 = vector.shape_cast %broadcast_in_dim3A_28 : vector<16xf32> to vector<16xf32>
    tpu.vector_store %arg6[%swap3A_29], %swap3A_32 {strides = array<i32>} : memref<128xf32, #tpu.memory_space<vmem>>, vector<16xf32>,
    %broadcast_in_dim3A_33 = arith.constant 1.000000e+00 : f32
    %broadcast_in_dim3A_34 = vector.broadcast %broadcast_in_dim3A_33 : f32 to vector<16xf32>
    %swap3A_35 = arith.constant 80 : index
    %swap3A_36 = tpu.vector_load %arg6[%swap3A_35] {strides = array<i32>} : memref<128xf32, #tpu.memory_space<vmem>>, vector<16xf32>,
    %swap3A_37 = vector.shape_cast %swap3A_36 : vector<16xf32> to vector<16xf32>
    %swap3A_38 = vector.shape_cast %broadcast_in_dim3A_34 : vector<16xf32> to vector<16xf32>
    tpu.vector_store %arg6[%swap3A_35], %swap3A_38 {strides = array<i32>} : memref<128xf32, #tpu.memory_space<vmem>>, vector<16xf32>,
    %broadcast_in_dim3A_39 = arith.constant 1.000000e+00 : f32
    %broadcast_in_dim3A_40 = vector.broadcast %broadcast_in_dim3A_39 : f32 to vector<16xf32>
    %swap3A_41 = arith.constant 96 : index
    %swap3A_42 = tpu.vector_load %arg6[%swap3A_41] {strides = array<i32>} : memref<128xf32, #tpu.memory_space<vmem>>, vector<16xf32>,
    %swap3A_43 = vector.shape_cast %swap3A_42 : vector<16xf32> to vector<16xf32>
    %swap3A_44 = vector.shape_cast %broadcast_in_dim3A_40 : vector<16xf32> to vector<16xf32>
    tpu.vector_store %arg6[%swap3A_41], %swap3A_44 {strides = array<i32>} : memref<128xf32, #tpu.memory_space<vmem>>, vector<16xf32>,
    %broadcast_in_dim3A_45 = arith.constant 1.000000e+00 : f32
    %broadcast_in_dim3A_46 = vector.broadcast %broadcast_in_dim3A_45 : f32 to vector<16xf32>
    %swap3A_47 = arith.constant 112 : index
    %swap3A_48 = tpu.vector_load %arg6[%swap3A_47] {strides = array<i32>} : memref<128xf32, #tpu.memory_space<vmem>>, vector<16xf32>,
    %swap3A_49 = vector.shape_cast %swap3A_48 : vector<16xf32> to vector<16xf32>
    %swap3A_50 = vector.shape_cast %broadcast_in_dim3A_46 : vector<16xf32> to vector<16xf32>
    tpu.vector_store %arg6[%swap3A_47], %swap3A_50 {strides = array<i32>} : memref<128xf32, #tpu.memory_space<vmem>>, vector<16xf32>,
    %barrier3A = arith.constant 0 : index
    tpu.barrier barrier_id(%barrier3A)
    %scan3A = arith.constant 0 : i32
    %scan3A_51 = arith.constant 0 : i32
    %scan3A_52 = arith.constant 80 : i32
    %scan3A_53 = arith.addi %scan3A_51, %scan3A_52 : i32
    %scan3A_54 = arith.constant 1 : i32
    scf.for %scan3A_61 = %scan3A_51 to %scan3A_53 step %scan3A_54  : i32 {
      "tpu.region"() ({
        %run_scoped3A = tpu.sem_alloc : memref<!tpu.dma_semaphore, #tpu.memory_space<semaphore_mem>>
        %dma_start3A = arith.constant 0 : i32
        %dma_start3A_62 = tpu.memref_slice %arg5[%scan3A_61, %dma_start3A] : memref<80x128xi32, #tpu.memory_space<vmem>> -> memref<1x128xi32, #tpu.memory_space<vmem>>
        %dma_start3A_63 = tpu.memref_squeeze %dma_start3A_62 : memref<1x128xi32, #tpu.memory_space<vmem>> -> memref<128xi32, #tpu.memory_space<vmem>>
        %dma_start3A_64 = arith.constant 0 : i32
        %dma_start3A_65 = tpu.memref_slice %arg7[%dma_start3A_64] : memref<10240xf32, #tpu.memory_space<vmem_shared>> -> memref<10240xf32, #tpu.memory_space<vmem_shared>>
        tpu.enqueue_indirect_dma source(%arg6 : memref<128xf32, #tpu.memory_space<vmem>>) target(%dma_start3A_65 : memref<10240xf32, #tpu.memory_space<vmem_shared>>) offsets(%dma_start3A_63 : memref<128xi32, #tpu.memory_space<vmem>>) semaphore(%run_scoped3A : memref<!tpu.dma_semaphore, #tpu.memory_space<semaphore_mem>>) {add = true}
        %dma_wait3A = arith.constant 0 : i32
        %dma_wait3A_66 = tpu.memref_slice %arg5[%scan3A_61, %dma_wait3A] : memref<80x128xi32, #tpu.memory_space<vmem>> -> memref<1x128xi32, #tpu.memory_space<vmem>>
        %dma_wait3A_67 = tpu.memref_squeeze %dma_wait3A_66 : memref<1x128xi32, #tpu.memory_space<vmem>> -> memref<128xi32, #tpu.memory_space<vmem>>
        %dma_wait3A_68 = arith.constant 0 : i32
        %dma_wait3A_69 = tpu.memref_slice %arg7[%dma_wait3A_68] : memref<10240xf32, #tpu.memory_space<vmem_shared>> -> memref<10240xf32, #tpu.memory_space<vmem_shared>>
        tpu.wait_indirect_dma semaphore(%run_scoped3A : memref<!tpu.dma_semaphore, #tpu.memory_space<semaphore_mem>>) src(%arg6 : memref<128xf32, #tpu.memory_space<vmem>>) dst(%dma_wait3A_69 : memref<10240xf32, #tpu.memory_space<vmem_shared>>)
        tpu.yield
      }) : () -> ()
    }
    %scan3A_55 = arith.constant 80 : i32
    %barrier3A_56 = arith.constant 0 : index
    tpu.barrier barrier_id(%barrier3A_56)
    %mul3A_57 = arith.constant 640 : i32
    %mul3A_58 = arith.muli %arg1, %mul3A_57 : i32
    %mul3A_59 = arith.constant 640 : i32
    %mul3A_60 = arith.muli %arg1, %mul3A_59 : i32
    "tpu.region"() ({
      %run_scoped3A = tpu.sem_alloc : memref<!tpu.dma_semaphore, #tpu.memory_space<semaphore_mem>>
      %dma_start3A = tpu.memref_slice %arg4[%arg0, %mul3A_60] : memref<2x10240xf32, #tpu.memory_space<hbm>> -> memref<1x640xf32, #tpu.memory_space<hbm>>
      %dma_start3A_61 = tpu.memref_squeeze %dma_start3A : memref<1x640xf32, #tpu.memory_space<hbm>> -> memref<640xf32, #tpu.memory_space<hbm>>
      %dma_start3A_62 = tpu.memref_slice %arg7[%mul3A_58] : memref<10240xf32, #tpu.memory_space<vmem_shared>> -> memref<640xf32, #tpu.memory_space<vmem_shared>>
      tpu.enqueue_dma source(%dma_start3A_62 : memref<640xf32, #tpu.memory_space<vmem_shared>>) target(%dma_start3A_61 : memref<640xf32, #tpu.memory_space<hbm>>) target_semaphore(%run_scoped3A : memref<!tpu.dma_semaphore, #tpu.memory_space<semaphore_mem>>)
      %dma_wait3A = tpu.memref_slice %arg4[%arg0, %mul3A_60] : memref<2x10240xf32, #tpu.memory_space<hbm>> -> memref<1x640xf32, #tpu.memory_space<hbm>>
      %dma_wait3A_63 = tpu.memref_squeeze %dma_wait3A : memref<1x640xf32, #tpu.memory_space<hbm>> -> memref<640xf32, #tpu.memory_space<hbm>>
      %dma_wait3A_64 = tpu.memref_slice %arg7[%mul3A_58] : memref<10240xf32, #tpu.memory_space<vmem_shared>> -> memref<640xf32, #tpu.memory_space<vmem_shared>>
      tpu.wait_dma2 semaphore(%run_scoped3A : memref<!tpu.dma_semaphore, #tpu.memory_space<semaphore_mem>>) src(%dma_wait3A_64 : memref<640xf32, #tpu.memory_space<vmem_shared>>) dst(%dma_wait3A_63 : memref<640xf32, #tpu.memory_space<hbm>>)
      tpu.yield
    }) : () -> ()
    return
  }
}

#map = affine_map<(d0, d1) -> (0, 0)>
#map1 = affine_map<(d0, d1) -> (0, 0, 0)>
module attributes {stable_mosaic.version = 14 : i64} {
  func.func @_edge_scatter_body(%arg0: i32, %arg1: i32, %arg2: memref<10240x128xf32, #tpu.memory_space<hbm>>, %arg3: memref<32x80x128xi32, #tpu.memory_space<hbm>>, %arg4: memref<32x80x128xi32, #tpu.memory_space<hbm>>, %arg5: memref<10240x128xf32, #tpu.memory_space<hbm>>, %arg6: memref<2x10240x128xf32, #tpu.memory_space<hbm>>, %arg7: memref<40x128xi32, #tpu.memory_space<vmem>>, %arg8: memref<40x128xi32, #tpu.memory_space<vmem>>, %arg9: memref<128x128xf32, #tpu.memory_space<vmem>>, %arg10: memref<128x128xf32, #tpu.memory_space<vmem>>, %arg11: memref<10240x128xf32, #tpu.memory_space<vmem_shared>>, %arg12: memref<!tpu.dma_semaphore, #tpu.memory_space<semaphore_mem>>, %arg13: memref<!tpu.dma_semaphore, #tpu.memory_space<semaphore_mem>>, %arg14: memref<!tpu.dma_semaphore, #tpu.memory_space<semaphore_mem>>) attributes {dimension_semantics = [#tpu.dimension_semantics<core_parallel>, #tpu.dimension_semantics<subcore_parallel>], iteration_bounds = array<i64: 2, 16>, scalar_prefetch = 0 : i64, scratch_operands = 8 : i64, tpu.core_type = #tpu.core_type<sc_vector_subcore>, window_params = [{transform_indices = #map}, {transform_indices = #map1}, {transform_indices = #map1}, {transform_indices = #map}, {transform_indices = #map1}]} {
    %mul3A = arith.constant 16 : i32
    %mul3A_0 = arith.muli %arg0, %mul3A : i32
    %add3A = arith.addi %mul3A_0, %arg1 : i32
    %mul3A_1 = arith.constant 640 : i32
    %mul3A_2 = arith.muli %arg1, %mul3A_1 : i32
    %mul3A_3 = arith.constant 640 : i32
    %mul3A_4 = arith.muli %arg1, %mul3A_3 : i32
    %dma_start3A = arith.constant 0 : i32
    %dma_start3A_5 = tpu.memref_slice %arg11[%mul3A_4, %dma_start3A] : memref<10240x128xf32, #tpu.memory_space<vmem_shared>> -> memref<640x128xf32, #tpu.memory_space<vmem_shared>>
    %dma_start3A_6 = arith.constant 0 : i32
    %dma_start3A_7 = tpu.memref_slice %arg5[%mul3A_2, %dma_start3A_6] : memref<10240x128xf32, #tpu.memory_space<hbm>> -> memref<640x128xf32, #tpu.memory_space<hbm>>
    tpu.enqueue_dma source(%dma_start3A_7 : memref<640x128xf32, #tpu.memory_space<hbm>>) target(%dma_start3A_5 : memref<640x128xf32, #tpu.memory_space<vmem_shared>>) target_semaphore(%arg14 : memref<!tpu.dma_semaphore, #tpu.memory_space<semaphore_mem>>)
    "tpu.region"() ({
      %run_scoped3A = tpu.sem_alloc : memref<!tpu.dma_semaphore, #tpu.memory_space<semaphore_mem>>
      %dma_start3A_41 = arith.constant 0 : i32
      %dma_start3A_42 = arith.constant 0 : i32
      %dma_start3A_43 = tpu.memref_slice %arg3[%add3A, %dma_start3A_41, %dma_start3A_42] : memref<32x80x128xi32, #tpu.memory_space<hbm>> -> memref<1x40x128xi32, #tpu.memory_space<hbm>>
      %dma_start3A_44 = tpu.memref_squeeze %dma_start3A_43 : memref<1x40x128xi32, #tpu.memory_space<hbm>> -> memref<40x128xi32, #tpu.memory_space<hbm>>
      %dma_start3A_45 = arith.constant 0 : i32
      %dma_start3A_46 = arith.constant 0 : i32
      %dma_start3A_47 = tpu.memref_slice %arg3[%add3A, %dma_start3A_45, %dma_start3A_46] : memref<32x80x128xi32, #tpu.memory_space<hbm>> -> memref<1x40x128xi32, #tpu.memory_space<hbm>>
      %dma_start3A_48 = tpu.memref_squeeze %dma_start3A_47 : memref<1x40x128xi32, #tpu.memory_space<hbm>> -> memref<40x128xi32, #tpu.memory_space<hbm>>
      tpu.enqueue_dma source(%dma_start3A_48 : memref<40x128xi32, #tpu.memory_space<hbm>>) target(%arg7 : memref<40x128xi32, #tpu.memory_space<vmem>>) target_semaphore(%run_scoped3A : memref<!tpu.dma_semaphore, #tpu.memory_space<semaphore_mem>>)
      %dma_wait3A_49 = arith.constant 0 : i32
      %dma_wait3A_50 = arith.constant 0 : i32
      %dma_wait3A_51 = tpu.memref_slice %arg3[%add3A, %dma_wait3A_49, %dma_wait3A_50] : memref<32x80x128xi32, #tpu.memory_space<hbm>> -> memref<1x40x128xi32, #tpu.memory_space<hbm>>
      %dma_wait3A_52 = tpu.memref_squeeze %dma_wait3A_51 : memref<1x40x128xi32, #tpu.memory_space<hbm>> -> memref<40x128xi32, #tpu.memory_space<hbm>>
      %dma_wait3A_53 = arith.constant 0 : i32
      %dma_wait3A_54 = arith.constant 0 : i32
      %dma_wait3A_55 = tpu.memref_slice %arg3[%add3A, %dma_wait3A_53, %dma_wait3A_54] : memref<32x80x128xi32, #tpu.memory_space<hbm>> -> memref<1x40x128xi32, #tpu.memory_space<hbm>>
      %dma_wait3A_56 = tpu.memref_squeeze %dma_wait3A_55 : memref<1x40x128xi32, #tpu.memory_space<hbm>> -> memref<40x128xi32, #tpu.memory_space<hbm>>
      tpu.wait_dma2 semaphore(%run_scoped3A : memref<!tpu.dma_semaphore, #tpu.memory_space<semaphore_mem>>) src(%dma_wait3A_56 : memref<40x128xi32, #tpu.memory_space<hbm>>) dst(%arg7 : memref<40x128xi32, #tpu.memory_space<vmem>>)
      tpu.yield
    }) : () -> ()
    "tpu.region"() ({
      %run_scoped3A = tpu.sem_alloc : memref<!tpu.dma_semaphore, #tpu.memory_space<semaphore_mem>>
      %dma_start3A_41 = arith.constant 0 : i32
      %dma_start3A_42 = arith.constant 0 : i32
      %dma_start3A_43 = tpu.memref_slice %arg4[%add3A, %dma_start3A_41, %dma_start3A_42] : memref<32x80x128xi32, #tpu.memory_space<hbm>> -> memref<1x40x128xi32, #tpu.memory_space<hbm>>
      %dma_start3A_44 = tpu.memref_squeeze %dma_start3A_43 : memref<1x40x128xi32, #tpu.memory_space<hbm>> -> memref<40x128xi32, #tpu.memory_space<hbm>>
      %dma_start3A_45 = arith.constant 0 : i32
      %dma_start3A_46 = arith.constant 0 : i32
      %dma_start3A_47 = tpu.memref_slice %arg4[%add3A, %dma_start3A_45, %dma_start3A_46] : memref<32x80x128xi32, #tpu.memory_space<hbm>> -> memref<1x40x128xi32, #tpu.memory_space<hbm>>
      %dma_start3A_48 = tpu.memref_squeeze %dma_start3A_47 : memref<1x40x128xi32, #tpu.memory_space<hbm>> -> memref<40x128xi32, #tpu.memory_space<hbm>>
      tpu.enqueue_dma source(%dma_start3A_48 : memref<40x128xi32, #tpu.memory_space<hbm>>) target(%arg8 : memref<40x128xi32, #tpu.memory_space<vmem>>) target_semaphore(%run_scoped3A : memref<!tpu.dma_semaphore, #tpu.memory_space<semaphore_mem>>)
      %dma_wait3A_49 = arith.constant 0 : i32
      %dma_wait3A_50 = arith.constant 0 : i32
      %dma_wait3A_51 = tpu.memref_slice %arg4[%add3A, %dma_wait3A_49, %dma_wait3A_50] : memref<32x80x128xi32, #tpu.memory_space<hbm>> -> memref<1x40x128xi32, #tpu.memory_space<hbm>>
      %dma_wait3A_52 = tpu.memref_squeeze %dma_wait3A_51 : memref<1x40x128xi32, #tpu.memory_space<hbm>> -> memref<40x128xi32, #tpu.memory_space<hbm>>
      %dma_wait3A_53 = arith.constant 0 : i32
      %dma_wait3A_54 = arith.constant 0 : i32
      %dma_wait3A_55 = tpu.memref_slice %arg4[%add3A, %dma_wait3A_53, %dma_wait3A_54] : memref<32x80x128xi32, #tpu.memory_space<hbm>> -> memref<1x40x128xi32, #tpu.memory_space<hbm>>
      %dma_wait3A_56 = tpu.memref_squeeze %dma_wait3A_55 : memref<1x40x128xi32, #tpu.memory_space<hbm>> -> memref<40x128xi32, #tpu.memory_space<hbm>>
      tpu.wait_dma2 semaphore(%run_scoped3A : memref<!tpu.dma_semaphore, #tpu.memory_space<semaphore_mem>>) src(%dma_wait3A_56 : memref<40x128xi32, #tpu.memory_space<hbm>>) dst(%arg8 : memref<40x128xi32, #tpu.memory_space<vmem>>)
      tpu.yield
    }) : () -> ()
    %dma_start3A_8 = arith.constant 0 : i32
    %dma_start3A_9 = arith.constant 0 : i32
    %dma_start3A_10 = tpu.memref_slice %arg7[%dma_start3A_8, %dma_start3A_9] : memref<40x128xi32, #tpu.memory_space<vmem>> -> memref<1x128xi32, #tpu.memory_space<vmem>>
    %dma_start3A_11 = tpu.memref_squeeze %dma_start3A_10 : memref<1x128xi32, #tpu.memory_space<vmem>> -> memref<128xi32, #tpu.memory_space<vmem>>
    %dma_start3A_12 = arith.constant 0 : i32
    %dma_start3A_13 = arith.constant 0 : i32
    %dma_start3A_14 = tpu.memref_slice %arg2[%dma_start3A_12, %dma_start3A_13] : memref<10240x128xf32, #tpu.memory_space<hbm>> -> memref<10240x128xf32, #tpu.memory_space<hbm>>
    tpu.enqueue_indirect_dma source(%dma_start3A_14 : memref<10240x128xf32, #tpu.memory_space<hbm>>) target(%arg9 : memref<128x128xf32, #tpu.memory_space<vmem>>) offsets(%dma_start3A_11 : memref<128xi32, #tpu.memory_space<vmem>>) semaphore(%arg12 : memref<!tpu.dma_semaphore, #tpu.memory_space<semaphore_mem>>)
    %dma_wait3A = arith.constant 0 : i32
    %dma_wait3A_15 = tpu.memref_slice %arg11[%mul3A_4, %dma_wait3A] : memref<10240x128xf32, #tpu.memory_space<vmem_shared>> -> memref<640x128xf32, #tpu.memory_space<vmem_shared>>
    %dma_wait3A_16 = arith.constant 0 : i32
    %dma_wait3A_17 = tpu.memref_slice %arg5[%mul3A_2, %dma_wait3A_16] : memref<10240x128xf32, #tpu.memory_space<hbm>> -> memref<640x128xf32, #tpu.memory_space<hbm>>
    tpu.wait_dma2 semaphore(%arg14 : memref<!tpu.dma_semaphore, #tpu.memory_space<semaphore_mem>>) src(%dma_wait3A_17 : memref<640x128xf32, #tpu.memory_space<hbm>>) dst(%dma_wait3A_15 : memref<640x128xf32, #tpu.memory_space<vmem_shared>>)
    %barrier3A = arith.constant 0 : index
    tpu.barrier barrier_id(%barrier3A)
    %scan3A = arith.constant 0 : i32
    %scan3A_18 = arith.constant 0 : i32
    %scan3A_19 = arith.constant 20 : i32
    %scan3A_20 = arith.addi %scan3A_18, %scan3A_19 : i32
    %scan3A_21 = arith.constant 1 : i32
    scf.for %scan3A_41 = %scan3A_18 to %scan3A_20 step %scan3A_21  : i32 {
      %mul3A_42 = arith.constant 2 : i32
      %mul3A_43 = arith.muli %mul3A_42, %scan3A_41 : i32
      %add3A_44 = arith.constant 1 : i32
      %add3A_45 = arith.addi %mul3A_43, %add3A_44 : i32
      %dma_start3A_46 = arith.constant 0 : i32
      %dma_start3A_47 = tpu.memref_slice %arg7[%add3A_45, %dma_start3A_46] : memref<40x128xi32, #tpu.memory_space<vmem>> -> memref<1x128xi32, #tpu.memory_space<vmem>>
      %dma_start3A_48 = tpu.memref_squeeze %dma_start3A_47 : memref<1x128xi32, #tpu.memory_space<vmem>> -> memref<128xi32, #tpu.memory_space<vmem>>
      %dma_start3A_49 = arith.constant 0 : i32
      %dma_start3A_50 = arith.constant 0 : i32
      %dma_start3A_51 = tpu.memref_slice %arg2[%dma_start3A_49, %dma_start3A_50] : memref<10240x128xf32, #tpu.memory_space<hbm>> -> memref<10240x128xf32, #tpu.memory_space<hbm>>
      tpu.enqueue_indirect_dma source(%dma_start3A_51 : memref<10240x128xf32, #tpu.memory_space<hbm>>) target(%arg10 : memref<128x128xf32, #tpu.memory_space<vmem>>) offsets(%dma_start3A_48 : memref<128xi32, #tpu.memory_space<vmem>>) semaphore(%arg13 : memref<!tpu.dma_semaphore, #tpu.memory_space<semaphore_mem>>)
      %dma_wait3A_52 = arith.constant 0 : i32
      %dma_wait3A_53 = tpu.memref_slice %arg7[%mul3A_43, %dma_wait3A_52] : memref<40x128xi32, #tpu.memory_space<vmem>> -> memref<1x128xi32, #tpu.memory_space<vmem>>
      %dma_wait3A_54 = tpu.memref_squeeze %dma_wait3A_53 : memref<1x128xi32, #tpu.memory_space<vmem>> -> memref<128xi32, #tpu.memory_space<vmem>>
      %dma_wait3A_55 = arith.constant 0 : i32
      %dma_wait3A_56 = arith.constant 0 : i32
      %dma_wait3A_57 = tpu.memref_slice %arg2[%dma_wait3A_55, %dma_wait3A_56] : memref<10240x128xf32, #tpu.memory_space<hbm>> -> memref<10240x128xf32, #tpu.memory_space<hbm>>
      tpu.wait_indirect_dma semaphore(%arg12 : memref<!tpu.dma_semaphore, #tpu.memory_space<semaphore_mem>>) src(%dma_wait3A_57 : memref<10240x128xf32, #tpu.memory_space<hbm>>) dst(%arg9 : memref<128x128xf32, #tpu.memory_space<vmem>>)
      "tpu.region"() ({
        %run_scoped3A = tpu.sem_alloc : memref<!tpu.dma_semaphore, #tpu.memory_space<semaphore_mem>>
        %dma_start3A_72 = arith.constant 0 : i32
        %dma_start3A_73 = tpu.memref_slice %arg8[%mul3A_43, %dma_start3A_72] : memref<40x128xi32, #tpu.memory_space<vmem>> -> memref<1x128xi32, #tpu.memory_space<vmem>>
        %dma_start3A_74 = tpu.memref_squeeze %dma_start3A_73 : memref<1x128xi32, #tpu.memory_space<vmem>> -> memref<128xi32, #tpu.memory_space<vmem>>
        %dma_start3A_75 = arith.constant 0 : i32
        %dma_start3A_76 = arith.constant 0 : i32
        %dma_start3A_77 = tpu.memref_slice %arg11[%dma_start3A_75, %dma_start3A_76] : memref<10240x128xf32, #tpu.memory_space<vmem_shared>> -> memref<10240x128xf32, #tpu.memory_space<vmem_shared>>
        tpu.enqueue_indirect_dma source(%arg9 : memref<128x128xf32, #tpu.memory_space<vmem>>) target(%dma_start3A_77 : memref<10240x128xf32, #tpu.memory_space<vmem_shared>>) offsets(%dma_start3A_74 : memref<128xi32, #tpu.memory_space<vmem>>) semaphore(%run_scoped3A : memref<!tpu.dma_semaphore, #tpu.memory_space<semaphore_mem>>) {add = true}
        %dma_wait3A_78 = arith.constant 0 : i32
        %dma_wait3A_79 = tpu.memref_slice %arg8[%mul3A_43, %dma_wait3A_78] : memref<40x128xi32, #tpu.memory_space<vmem>> -> memref<1x128xi32, #tpu.memory_space<vmem>>
        %dma_wait3A_80 = tpu.memref_squeeze %dma_wait3A_79 : memref<1x128xi32, #tpu.memory_space<vmem>> -> memref<128xi32, #tpu.memory_space<vmem>>
        %dma_wait3A_81 = arith.constant 0 : i32
        %dma_wait3A_82 = arith.constant 0 : i32
        %dma_wait3A_83 = tpu.memref_slice %arg11[%dma_wait3A_81, %dma_wait3A_82] : memref<10240x128xf32, #tpu.memory_space<vmem_shared>> -> memref<10240x128xf32, #tpu.memory_space<vmem_shared>>
        tpu.wait_indirect_dma semaphore(%run_scoped3A : memref<!tpu.dma_semaphore, #tpu.memory_space<semaphore_mem>>) src(%arg9 : memref<128x128xf32, #tpu.memory_space<vmem>>) dst(%dma_wait3A_83 : memref<10240x128xf32, #tpu.memory_space<vmem_shared>>)
        tpu.yield
      }) : () -> ()
      %add3A_58 = arith.constant 1 : i32
      %add3A_59 = arith.addi %scan3A_41, %add3A_58 : i32
      %lt3A = arith.constant 20 : i32
      %lt3A_60 = arith.cmpi slt, %add3A_59, %lt3A : i32
      %convert_element_type3A = arith.extui %lt3A_60 : i1 to i32
      %cond3A = arith.constant 0 : i32
      %cond3A_61 = arith.cmpi ne, %convert_element_type3A, %cond3A : i32
      scf.if %cond3A_61 {
        %add3A_72 = arith.constant 2 : i32
        %add3A_73 = arith.addi %mul3A_43, %add3A_72 : i32
        %dma_start3A_74 = arith.constant 0 : i32
        %dma_start3A_75 = tpu.memref_slice %arg7[%add3A_73, %dma_start3A_74] : memref<40x128xi32, #tpu.memory_space<vmem>> -> memref<1x128xi32, #tpu.memory_space<vmem>>
        %dma_start3A_76 = tpu.memref_squeeze %dma_start3A_75 : memref<1x128xi32, #tpu.memory_space<vmem>> -> memref<128xi32, #tpu.memory_space<vmem>>
        %dma_start3A_77 = arith.constant 0 : i32
        %dma_start3A_78 = arith.constant 0 : i32
        %dma_start3A_79 = tpu.memref_slice %arg2[%dma_start3A_77, %dma_start3A_78] : memref<10240x128xf32, #tpu.memory_space<hbm>> -> memref<10240x128xf32, #tpu.memory_space<hbm>>
        tpu.enqueue_indirect_dma source(%dma_start3A_79 : memref<10240x128xf32, #tpu.memory_space<hbm>>) target(%arg9 : memref<128x128xf32, #tpu.memory_space<vmem>>) offsets(%dma_start3A_76 : memref<128xi32, #tpu.memory_space<vmem>>) semaphore(%arg12 : memref<!tpu.dma_semaphore, #tpu.memory_space<semaphore_mem>>)
      } else {
      }
      %add3A_62 = arith.constant 1 : i32
      %add3A_63 = arith.addi %mul3A_43, %add3A_62 : i32
      %dma_wait3A_64 = arith.constant 0 : i32
      %dma_wait3A_65 = tpu.memref_slice %arg7[%add3A_63, %dma_wait3A_64] : memref<40x128xi32, #tpu.memory_space<vmem>> -> memref<1x128xi32, #tpu.memory_space<vmem>>
      %dma_wait3A_66 = tpu.memref_squeeze %dma_wait3A_65 : memref<1x128xi32, #tpu.memory_space<vmem>> -> memref<128xi32, #tpu.memory_space<vmem>>
      %dma_wait3A_67 = arith.constant 0 : i32
      %dma_wait3A_68 = arith.constant 0 : i32
      %dma_wait3A_69 = tpu.memref_slice %arg2[%dma_wait3A_67, %dma_wait3A_68] : memref<10240x128xf32, #tpu.memory_space<hbm>> -> memref<10240x128xf32, #tpu.memory_space<hbm>>
      tpu.wait_indirect_dma semaphore(%arg13 : memref<!tpu.dma_semaphore, #tpu.memory_space<semaphore_mem>>) src(%dma_wait3A_69 : memref<10240x128xf32, #tpu.memory_space<hbm>>) dst(%arg10 : memref<128x128xf32, #tpu.memory_space<vmem>>)
      %add3A_70 = arith.constant 1 : i32
      %add3A_71 = arith.addi %mul3A_43, %add3A_70 : i32
      "tpu.region"() ({
        %run_scoped3A = tpu.sem_alloc : memref<!tpu.dma_semaphore, #tpu.memory_space<semaphore_mem>>
        %dma_start3A_72 = arith.constant 0 : i32
        %dma_start3A_73 = tpu.memref_slice %arg8[%add3A_71, %dma_start3A_72] : memref<40x128xi32, #tpu.memory_space<vmem>> -> memref<1x128xi32, #tpu.memory_space<vmem>>
        %dma_start3A_74 = tpu.memref_squeeze %dma_start3A_73 : memref<1x128xi32, #tpu.memory_space<vmem>> -> memref<128xi32, #tpu.memory_space<vmem>>
        %dma_start3A_75 = arith.constant 0 : i32
        %dma_start3A_76 = arith.constant 0 : i32
        %dma_start3A_77 = tpu.memref_slice %arg11[%dma_start3A_75, %dma_start3A_76] : memref<10240x128xf32, #tpu.memory_space<vmem_shared>> -> memref<10240x128xf32, #tpu.memory_space<vmem_shared>>
        tpu.enqueue_indirect_dma source(%arg10 : memref<128x128xf32, #tpu.memory_space<vmem>>) target(%dma_start3A_77 : memref<10240x128xf32, #tpu.memory_space<vmem_shared>>) offsets(%dma_start3A_74 : memref<128xi32, #tpu.memory_space<vmem>>) semaphore(%run_scoped3A : memref<!tpu.dma_semaphore, #tpu.memory_space<semaphore_mem>>) {add = true}
        %dma_wait3A_78 = arith.constant 0 : i32
        %dma_wait3A_79 = tpu.memref_slice %arg8[%add3A_71, %dma_wait3A_78] : memref<40x128xi32, #tpu.memory_space<vmem>> -> memref<1x128xi32, #tpu.memory_space<vmem>>
        %dma_wait3A_80 = tpu.memref_squeeze %dma_wait3A_79 : memref<1x128xi32, #tpu.memory_space<vmem>> -> memref<128xi32, #tpu.memory_space<vmem>>
        %dma_wait3A_81 = arith.constant 0 : i32
        %dma_wait3A_82 = arith.constant 0 : i32
        %dma_wait3A_83 = tpu.memref_slice %arg11[%dma_wait3A_81, %dma_wait3A_82] : memref<10240x128xf32, #tpu.memory_space<vmem_shared>> -> memref<10240x128xf32, #tpu.memory_space<vmem_shared>>
        tpu.wait_indirect_dma semaphore(%run_scoped3A : memref<!tpu.dma_semaphore, #tpu.memory_space<semaphore_mem>>) src(%arg10 : memref<128x128xf32, #tpu.memory_space<vmem>>) dst(%dma_wait3A_83 : memref<10240x128xf32, #tpu.memory_space<vmem_shared>>)
        tpu.yield
      }) : () -> ()
    }
    %scan3A_22 = arith.constant 20 : i32
    "tpu.region"() ({
      %run_scoped3A = tpu.sem_alloc : memref<!tpu.dma_semaphore, #tpu.memory_space<semaphore_mem>>
      %dma_start3A_41 = arith.constant 40 : i32
      %dma_start3A_42 = arith.constant 0 : i32
      %dma_start3A_43 = tpu.memref_slice %arg3[%add3A, %dma_start3A_41, %dma_start3A_42] : memref<32x80x128xi32, #tpu.memory_space<hbm>> -> memref<1x40x128xi32, #tpu.memory_space<hbm>>
      %dma_start3A_44 = tpu.memref_squeeze %dma_start3A_43 : memref<1x40x128xi32, #tpu.memory_space<hbm>> -> memref<40x128xi32, #tpu.memory_space<hbm>>
      %dma_start3A_45 = arith.constant 40 : i32
      %dma_start3A_46 = arith.constant 0 : i32
      %dma_start3A_47 = tpu.memref_slice %arg3[%add3A, %dma_start3A_45, %dma_start3A_46] : memref<32x80x128xi32, #tpu.memory_space<hbm>> -> memref<1x40x128xi32, #tpu.memory_space<hbm>>
      %dma_start3A_48 = tpu.memref_squeeze %dma_start3A_47 : memref<1x40x128xi32, #tpu.memory_space<hbm>> -> memref<40x128xi32, #tpu.memory_space<hbm>>
      tpu.enqueue_dma source(%dma_start3A_48 : memref<40x128xi32, #tpu.memory_space<hbm>>) target(%arg7 : memref<40x128xi32, #tpu.memory_space<vmem>>) target_semaphore(%run_scoped3A : memref<!tpu.dma_semaphore, #tpu.memory_space<semaphore_mem>>)
      %dma_wait3A_49 = arith.constant 40 : i32
      %dma_wait3A_50 = arith.constant 0 : i32
      %dma_wait3A_51 = tpu.memref_slice %arg3[%add3A, %dma_wait3A_49, %dma_wait3A_50] : memref<32x80x128xi32, #tpu.memory_space<hbm>> -> memref<1x40x128xi32, #tpu.memory_space<hbm>>
      %dma_wait3A_52 = tpu.memref_squeeze %dma_wait3A_51 : memref<1x40x128xi32, #tpu.memory_space<hbm>> -> memref<40x128xi32, #tpu.memory_space<hbm>>
      %dma_wait3A_53 = arith.constant 40 : i32
      %dma_wait3A_54 = arith.constant 0 : i32
      %dma_wait3A_55 = tpu.memref_slice %arg3[%add3A, %dma_wait3A_53, %dma_wait3A_54] : memref<32x80x128xi32, #tpu.memory_space<hbm>> -> memref<1x40x128xi32, #tpu.memory_space<hbm>>
      %dma_wait3A_56 = tpu.memref_squeeze %dma_wait3A_55 : memref<1x40x128xi32, #tpu.memory_space<hbm>> -> memref<40x128xi32, #tpu.memory_space<hbm>>
      tpu.wait_dma2 semaphore(%run_scoped3A : memref<!tpu.dma_semaphore, #tpu.memory_space<semaphore_mem>>) src(%dma_wait3A_56 : memref<40x128xi32, #tpu.memory_space<hbm>>) dst(%arg7 : memref<40x128xi32, #tpu.memory_space<vmem>>)
      tpu.yield
    }) : () -> ()
    "tpu.region"() ({
      %run_scoped3A = tpu.sem_alloc : memref<!tpu.dma_semaphore, #tpu.memory_space<semaphore_mem>>
      %dma_start3A_41 = arith.constant 40 : i32
      %dma_start3A_42 = arith.constant 0 : i32
      %dma_start3A_43 = tpu.memref_slice %arg4[%add3A, %dma_start3A_41, %dma_start3A_42] : memref<32x80x128xi32, #tpu.memory_space<hbm>> -> memref<1x40x128xi32, #tpu.memory_space<hbm>>
      %dma_start3A_44 = tpu.memref_squeeze %dma_start3A_43 : memref<1x40x128xi32, #tpu.memory_space<hbm>> -> memref<40x128xi32, #tpu.memory_space<hbm>>
      %dma_start3A_45 = arith.constant 40 : i32
      %dma_start3A_46 = arith.constant 0 : i32
      %dma_start3A_47 = tpu.memref_slice %arg4[%add3A, %dma_start3A_45, %dma_start3A_46] : memref<32x80x128xi32, #tpu.memory_space<hbm>> -> memref<1x40x128xi32, #tpu.memory_space<hbm>>
      %dma_start3A_48 = tpu.memref_squeeze %dma_start3A_47 : memref<1x40x128xi32, #tpu.memory_space<hbm>> -> memref<40x128xi32, #tpu.memory_space<hbm>>
      tpu.enqueue_dma source(%dma_start3A_48 : memref<40x128xi32, #tpu.memory_space<hbm>>) target(%arg8 : memref<40x128xi32, #tpu.memory_space<vmem>>) target_semaphore(%run_scoped3A : memref<!tpu.dma_semaphore, #tpu.memory_space<semaphore_mem>>)
      %dma_wait3A_49 = arith.constant 40 : i32
      %dma_wait3A_50 = arith.constant 0 : i32
      %dma_wait3A_51 = tpu.memref_slice %arg4[%add3A, %dma_wait3A_49, %dma_wait3A_50] : memref<32x80x128xi32, #tpu.memory_space<hbm>> -> memref<1x40x128xi32, #tpu.memory_space<hbm>>
      %dma_wait3A_52 = tpu.memref_squeeze %dma_wait3A_51 : memref<1x40x128xi32, #tpu.memory_space<hbm>> -> memref<40x128xi32, #tpu.memory_space<hbm>>
      %dma_wait3A_53 = arith.constant 40 : i32
      %dma_wait3A_54 = arith.constant 0 : i32
      %dma_wait3A_55 = tpu.memref_slice %arg4[%add3A, %dma_wait3A_53, %dma_wait3A_54] : memref<32x80x128xi32, #tpu.memory_space<hbm>> -> memref<1x40x128xi32, #tpu.memory_space<hbm>>
      %dma_wait3A_56 = tpu.memref_squeeze %dma_wait3A_55 : memref<1x40x128xi32, #tpu.memory_space<hbm>> -> memref<40x128xi32, #tpu.memory_space<hbm>>
      tpu.wait_dma2 semaphore(%run_scoped3A : memref<!tpu.dma_semaphore, #tpu.memory_space<semaphore_mem>>) src(%dma_wait3A_56 : memref<40x128xi32, #tpu.memory_space<hbm>>) dst(%arg8 : memref<40x128xi32, #tpu.memory_space<vmem>>)
      tpu.yield
    }) : () -> ()
    %dma_start3A_23 = arith.constant 0 : i32
    %dma_start3A_24 = arith.constant 0 : i32
    %dma_start3A_25 = tpu.memref_slice %arg7[%dma_start3A_23, %dma_start3A_24] : memref<40x128xi32, #tpu.memory_space<vmem>> -> memref<1x128xi32, #tpu.memory_space<vmem>>
    %dma_start3A_26 = tpu.memref_squeeze %dma_start3A_25 : memref<1x128xi32, #tpu.memory_space<vmem>> -> memref<128xi32, #tpu.memory_space<vmem>>
    %dma_start3A_27 = arith.constant 0 : i32
    %dma_start3A_28 = arith.constant 0 : i32
    %dma_start3A_29 = tpu.memref_slice %arg2[%dma_start3A_27, %dma_start3A_28] : memref<10240x128xf32, #tpu.memory_space<hbm>> -> memref<10240x128xf32, #tpu.memory_space<hbm>>
    tpu.enqueue_indirect_dma source(%dma_start3A_29 : memref<10240x128xf32, #tpu.memory_space<hbm>>) target(%arg9 : memref<128x128xf32, #tpu.memory_space<vmem>>) offsets(%dma_start3A_26 : memref<128xi32, #tpu.memory_space<vmem>>) semaphore(%arg12 : memref<!tpu.dma_semaphore, #tpu.memory_space<semaphore_mem>>)
    %scan3A_30 = arith.constant 0 : i32
    %scan3A_31 = arith.constant 0 : i32
    %scan3A_32 = arith.constant 20 : i32
    %scan3A_33 = arith.addi %scan3A_31, %scan3A_32 : i32
    %scan3A_34 = arith.constant 1 : i32
    scf.for %scan3A_41 = %scan3A_31 to %scan3A_33 step %scan3A_34  : i32 {
      %mul3A_42 = arith.constant 2 : i32
      %mul3A_43 = arith.muli %mul3A_42, %scan3A_41 : i32
      %add3A_44 = arith.constant 1 : i32
      %add3A_45 = arith.addi %mul3A_43, %add3A_44 : i32
      %dma_start3A_46 = arith.constant 0 : i32
      %dma_start3A_47 = tpu.memref_slice %arg7[%add3A_45, %dma_start3A_46] : memref<40x128xi32, #tpu.memory_space<vmem>> -> memref<1x128xi32, #tpu.memory_space<vmem>>
      %dma_start3A_48 = tpu.memref_squeeze %dma_start3A_47 : memref<1x128xi32, #tpu.memory_space<vmem>> -> memref<128xi32, #tpu.memory_space<vmem>>
      %dma_start3A_49 = arith.constant 0 : i32
      %dma_start3A_50 = arith.constant 0 : i32
      %dma_start3A_51 = tpu.memref_slice %arg2[%dma_start3A_49, %dma_start3A_50] : memref<10240x128xf32, #tpu.memory_space<hbm>> -> memref<10240x128xf32, #tpu.memory_space<hbm>>
      tpu.enqueue_indirect_dma source(%dma_start3A_51 : memref<10240x128xf32, #tpu.memory_space<hbm>>) target(%arg10 : memref<128x128xf32, #tpu.memory_space<vmem>>) offsets(%dma_start3A_48 : memref<128xi32, #tpu.memory_space<vmem>>) semaphore(%arg13 : memref<!tpu.dma_semaphore, #tpu.memory_space<semaphore_mem>>)
      %dma_wait3A_52 = arith.constant 0 : i32
      %dma_wait3A_53 = tpu.memref_slice %arg7[%mul3A_43, %dma_wait3A_52] : memref<40x128xi32, #tpu.memory_space<vmem>> -> memref<1x128xi32, #tpu.memory_space<vmem>>
      %dma_wait3A_54 = tpu.memref_squeeze %dma_wait3A_53 : memref<1x128xi32, #tpu.memory_space<vmem>> -> memref<128xi32, #tpu.memory_space<vmem>>
      %dma_wait3A_55 = arith.constant 0 : i32
      %dma_wait3A_56 = arith.constant 0 : i32
      %dma_wait3A_57 = tpu.memref_slice %arg2[%dma_wait3A_55, %dma_wait3A_56] : memref<10240x128xf32, #tpu.memory_space<hbm>> -> memref<10240x128xf32, #tpu.memory_space<hbm>>
      tpu.wait_indirect_dma semaphore(%arg12 : memref<!tpu.dma_semaphore, #tpu.memory_space<semaphore_mem>>) src(%dma_wait3A_57 : memref<10240x128xf32, #tpu.memory_space<hbm>>) dst(%arg9 : memref<128x128xf32, #tpu.memory_space<vmem>>)
      "tpu.region"() ({
        %run_scoped3A = tpu.sem_alloc : memref<!tpu.dma_semaphore, #tpu.memory_space<semaphore_mem>>
        %dma_start3A_72 = arith.constant 0 : i32
        %dma_start3A_73 = tpu.memref_slice %arg8[%mul3A_43, %dma_start3A_72] : memref<40x128xi32, #tpu.memory_space<vmem>> -> memref<1x128xi32, #tpu.memory_space<vmem>>
        %dma_start3A_74 = tpu.memref_squeeze %dma_start3A_73 : memref<1x128xi32, #tpu.memory_space<vmem>> -> memref<128xi32, #tpu.memory_space<vmem>>
        %dma_start3A_75 = arith.constant 0 : i32
        %dma_start3A_76 = arith.constant 0 : i32
        %dma_start3A_77 = tpu.memref_slice %arg11[%dma_start3A_75, %dma_start3A_76] : memref<10240x128xf32, #tpu.memory_space<vmem_shared>> -> memref<10240x128xf32, #tpu.memory_space<vmem_shared>>
        tpu.enqueue_indirect_dma source(%arg9 : memref<128x128xf32, #tpu.memory_space<vmem>>) target(%dma_start3A_77 : memref<10240x128xf32, #tpu.memory_space<vmem_shared>>) offsets(%dma_start3A_74 : memref<128xi32, #tpu.memory_space<vmem>>) semaphore(%run_scoped3A : memref<!tpu.dma_semaphore, #tpu.memory_space<semaphore_mem>>) {add = true}
        %dma_wait3A_78 = arith.constant 0 : i32
        %dma_wait3A_79 = tpu.memref_slice %arg8[%mul3A_43, %dma_wait3A_78] : memref<40x128xi32, #tpu.memory_space<vmem>> -> memref<1x128xi32, #tpu.memory_space<vmem>>
        %dma_wait3A_80 = tpu.memref_squeeze %dma_wait3A_79 : memref<1x128xi32, #tpu.memory_space<vmem>> -> memref<128xi32, #tpu.memory_space<vmem>>
        %dma_wait3A_81 = arith.constant 0 : i32
        %dma_wait3A_82 = arith.constant 0 : i32
        %dma_wait3A_83 = tpu.memref_slice %arg11[%dma_wait3A_81, %dma_wait3A_82] : memref<10240x128xf32, #tpu.memory_space<vmem_shared>> -> memref<10240x128xf32, #tpu.memory_space<vmem_shared>>
        tpu.wait_indirect_dma semaphore(%run_scoped3A : memref<!tpu.dma_semaphore, #tpu.memory_space<semaphore_mem>>) src(%arg9 : memref<128x128xf32, #tpu.memory_space<vmem>>) dst(%dma_wait3A_83 : memref<10240x128xf32, #tpu.memory_space<vmem_shared>>)
        tpu.yield
      }) : () -> ()
      %add3A_58 = arith.constant 1 : i32
      %add3A_59 = arith.addi %scan3A_41, %add3A_58 : i32
      %lt3A = arith.constant 20 : i32
      %lt3A_60 = arith.cmpi slt, %add3A_59, %lt3A : i32
      %convert_element_type3A = arith.extui %lt3A_60 : i1 to i32
      %cond3A = arith.constant 0 : i32
      %cond3A_61 = arith.cmpi ne, %convert_element_type3A, %cond3A : i32
      scf.if %cond3A_61 {
        %add3A_72 = arith.constant 2 : i32
        %add3A_73 = arith.addi %mul3A_43, %add3A_72 : i32
        %dma_start3A_74 = arith.constant 0 : i32
        %dma_start3A_75 = tpu.memref_slice %arg7[%add3A_73, %dma_start3A_74] : memref<40x128xi32, #tpu.memory_space<vmem>> -> memref<1x128xi32, #tpu.memory_space<vmem>>
        %dma_start3A_76 = tpu.memref_squeeze %dma_start3A_75 : memref<1x128xi32, #tpu.memory_space<vmem>> -> memref<128xi32, #tpu.memory_space<vmem>>
        %dma_start3A_77 = arith.constant 0 : i32
        %dma_start3A_78 = arith.constant 0 : i32
        %dma_start3A_79 = tpu.memref_slice %arg2[%dma_start3A_77, %dma_start3A_78] : memref<10240x128xf32, #tpu.memory_space<hbm>> -> memref<10240x128xf32, #tpu.memory_space<hbm>>
        tpu.enqueue_indirect_dma source(%dma_start3A_79 : memref<10240x128xf32, #tpu.memory_space<hbm>>) target(%arg9 : memref<128x128xf32, #tpu.memory_space<vmem>>) offsets(%dma_start3A_76 : memref<128xi32, #tpu.memory_space<vmem>>) semaphore(%arg12 : memref<!tpu.dma_semaphore, #tpu.memory_space<semaphore_mem>>)
      } else {
      }
      %add3A_62 = arith.constant 1 : i32
      %add3A_63 = arith.addi %mul3A_43, %add3A_62 : i32
      %dma_wait3A_64 = arith.constant 0 : i32
      %dma_wait3A_65 = tpu.memref_slice %arg7[%add3A_63, %dma_wait3A_64] : memref<40x128xi32, #tpu.memory_space<vmem>> -> memref<1x128xi32, #tpu.memory_space<vmem>>
      %dma_wait3A_66 = tpu.memref_squeeze %dma_wait3A_65 : memref<1x128xi32, #tpu.memory_space<vmem>> -> memref<128xi32, #tpu.memory_space<vmem>>
      %dma_wait3A_67 = arith.constant 0 : i32
      %dma_wait3A_68 = arith.constant 0 : i32
      %dma_wait3A_69 = tpu.memref_slice %arg2[%dma_wait3A_67, %dma_wait3A_68] : memref<10240x128xf32, #tpu.memory_space<hbm>> -> memref<10240x128xf32, #tpu.memory_space<hbm>>
      tpu.wait_indirect_dma semaphore(%arg13 : memref<!tpu.dma_semaphore, #tpu.memory_space<semaphore_mem>>) src(%dma_wait3A_69 : memref<10240x128xf32, #tpu.memory_space<hbm>>) dst(%arg10 : memref<128x128xf32, #tpu.memory_space<vmem>>)
      %add3A_70 = arith.constant 1 : i32
      %add3A_71 = arith.addi %mul3A_43, %add3A_70 : i32
      "tpu.region"() ({
        %run_scoped3A = tpu.sem_alloc : memref<!tpu.dma_semaphore, #tpu.memory_space<semaphore_mem>>
        %dma_start3A_72 = arith.constant 0 : i32
        %dma_start3A_73 = tpu.memref_slice %arg8[%add3A_71, %dma_start3A_72] : memref<40x128xi32, #tpu.memory_space<vmem>> -> memref<1x128xi32, #tpu.memory_space<vmem>>
        %dma_start3A_74 = tpu.memref_squeeze %dma_start3A_73 : memref<1x128xi32, #tpu.memory_space<vmem>> -> memref<128xi32, #tpu.memory_space<vmem>>
        %dma_start3A_75 = arith.constant 0 : i32
        %dma_start3A_76 = arith.constant 0 : i32
        %dma_start3A_77 = tpu.memref_slice %arg11[%dma_start3A_75, %dma_start3A_76] : memref<10240x128xf32, #tpu.memory_space<vmem_shared>> -> memref<10240x128xf32, #tpu.memory_space<vmem_shared>>
        tpu.enqueue_indirect_dma source(%arg10 : memref<128x128xf32, #tpu.memory_space<vmem>>) target(%dma_start3A_77 : memref<10240x128xf32, #tpu.memory_space<vmem_shared>>) offsets(%dma_start3A_74 : memref<128xi32, #tpu.memory_space<vmem>>) semaphore(%run_scoped3A : memref<!tpu.dma_semaphore, #tpu.memory_space<semaphore_mem>>) {add = true}
        %dma_wait3A_78 = arith.constant 0 : i32
        %dma_wait3A_79 = tpu.memref_slice %arg8[%add3A_71, %dma_wait3A_78] : memref<40x128xi32, #tpu.memory_space<vmem>> -> memref<1x128xi32, #tpu.memory_space<vmem>>
        %dma_wait3A_80 = tpu.memref_squeeze %dma_wait3A_79 : memref<1x128xi32, #tpu.memory_space<vmem>> -> memref<128xi32, #tpu.memory_space<vmem>>
        %dma_wait3A_81 = arith.constant 0 : i32
        %dma_wait3A_82 = arith.constant 0 : i32
        %dma_wait3A_83 = tpu.memref_slice %arg11[%dma_wait3A_81, %dma_wait3A_82] : memref<10240x128xf32, #tpu.memory_space<vmem_shared>> -> memref<10240x128xf32, #tpu.memory_space<vmem_shared>>
        tpu.wait_indirect_dma semaphore(%run_scoped3A : memref<!tpu.dma_semaphore, #tpu.memory_space<semaphore_mem>>) src(%arg10 : memref<128x128xf32, #tpu.memory_space<vmem>>) dst(%dma_wait3A_83 : memref<10240x128xf32, #tpu.memory_space<vmem_shared>>)
        tpu.yield
      }) : () -> ()
    }
    %scan3A_35 = arith.constant 20 : i32
    %barrier3A_36 = arith.constant 0 : index
    tpu.barrier barrier_id(%barrier3A_36)
    %mul3A_37 = arith.constant 640 : i32
    %mul3A_38 = arith.muli %arg1, %mul3A_37 : i32
    %mul3A_39 = arith.constant 640 : i32
    %mul3A_40 = arith.muli %arg1, %mul3A_39 : i32
    "tpu.region"() ({
      %run_scoped3A = tpu.sem_alloc : memref<!tpu.dma_semaphore, #tpu.memory_space<semaphore_mem>>
      %dma_start3A_41 = arith.constant 0 : i32
      %dma_start3A_42 = tpu.memref_slice %arg6[%arg0, %mul3A_40, %dma_start3A_41] : memref<2x10240x128xf32, #tpu.memory_space<hbm>> -> memref<1x640x128xf32, #tpu.memory_space<hbm>>
      %dma_start3A_43 = tpu.memref_squeeze %dma_start3A_42 : memref<1x640x128xf32, #tpu.memory_space<hbm>> -> memref<640x128xf32, #tpu.memory_space<hbm>>
      %dma_start3A_44 = arith.constant 0 : i32
      %dma_start3A_45 = tpu.memref_slice %arg11[%mul3A_38, %dma_start3A_44] : memref<10240x128xf32, #tpu.memory_space<vmem_shared>> -> memref<640x128xf32, #tpu.memory_space<vmem_shared>>
      tpu.enqueue_dma source(%dma_start3A_45 : memref<640x128xf32, #tpu.memory_space<vmem_shared>>) target(%dma_start3A_43 : memref<640x128xf32, #tpu.memory_space<hbm>>) target_semaphore(%run_scoped3A : memref<!tpu.dma_semaphore, #tpu.memory_space<semaphore_mem>>)
      %dma_wait3A_46 = arith.constant 0 : i32
      %dma_wait3A_47 = tpu.memref_slice %arg6[%arg0, %mul3A_40, %dma_wait3A_46] : memref<2x10240x128xf32, #tpu.memory_space<hbm>> -> memref<1x640x128xf32, #tpu.memory_space<hbm>>
      %dma_wait3A_48 = tpu.memref_squeeze %dma_wait3A_47 : memref<1x640x128xf32, #tpu.memory_space<hbm>> -> memref<640x128xf32, #tpu.memory_space<hbm>>
      %dma_wait3A_49 = arith.constant 0 : i32
      %dma_wait3A_50 = tpu.memref_slice %arg11[%mul3A_38, %dma_wait3A_49] : memref<10240x128xf32, #tpu.memory_space<vmem_shared>> -> memref<640x128xf32, #tpu.memory_space<vmem_shared>>
      tpu.wait_dma2 semaphore(%run_scoped3A : memref<!tpu.dma_semaphore, #tpu.memory_space<semaphore_mem>>) src(%dma_wait3A_50 : memref<640x128xf32, #tpu.memory_space<vmem_shared>>) dst(%dma_wait3A_48 : memref<640x128xf32, #tpu.memory_space<hbm>>)
      tpu.yield
    }) : () -> ()
    return
  }
}

module attributes {stable_mosaic.version = 14 : i64} {
  func.func @_tc_a2_body(%arg0: memref<10240x128xf32, #tpu.memory_space<vmem>>, %arg1: memref<2x10240xf32, #tpu.memory_space<vmem>>, %arg2: memref<10240x128xf32, #tpu.memory_space<vmem>>) attributes {dimension_semantics = [], scalar_prefetch = 0 : i64, scratch_operands = 0 : i64, tpu.core_type = #tpu.core_type<tc>} {
    %get3A = arith.constant 0 : index
    %get3A_0 = arith.constant 0 : index
    %get3A_1 = vector.load %arg1[%get3A, %get3A_0] : memref<2x10240xf32, #tpu.memory_space<vmem>>, vector<2x10240xf32>
    %slice3A = vector.extract_strided_slice %get3A_1 {offsets = [0, 0], sizes = [1, 10240], strides = [1, 1]} : vector<2x10240xf32> to vector<1x10240xf32>
    %squeeze3A = vector.shape_cast %slice3A : vector<1x10240xf32> to vector<10240xf32>
    %slice3A_2 = vector.extract_strided_slice %get3A_1 {offsets = [1, 0], sizes = [1, 10240], strides = [1, 1]} : vector<2x10240xf32> to vector<1x10240xf32>
    %squeeze3A_3 = vector.shape_cast %slice3A_2 : vector<1x10240xf32> to vector<10240xf32>
    %add3A = arith.addf %squeeze3A, %squeeze3A_3 : vector<10240xf32>
    %add3A_4 = arith.constant 1.000000e+00 : f32
    %add3A_5 = vector.broadcast %add3A_4 : f32 to vector<10240xf32>
    %add3A_6 = arith.addf %add3A, %add3A_5 : vector<10240xf32>
    %rsqrt3A = math.rsqrt %add3A_6 : vector<10240xf32>
    %reshape3A = vector.shape_cast %rsqrt3A : vector<10240xf32> to vector<10240x1xf32>
    %get3A_7 = arith.constant 0 : index
    %get3A_8 = arith.constant 0 : index
    %get3A_9 = vector.load %arg0[%get3A_7, %get3A_8] : memref<10240x128xf32, #tpu.memory_space<vmem>>, vector<10240x128xf32>
    %mul3A = vector.broadcast %reshape3A : vector<10240x1xf32> to vector<10240x128xf32>
    %mul3A_10 = arith.mulf %get3A_9, %mul3A : vector<10240x128xf32>
    %swap3A = arith.constant 0 : index
    %swap3A_11 = arith.constant 0 : index
    %swap3A_12 = vector.load %arg2[%swap3A, %swap3A_11] : memref<10240x128xf32, #tpu.memory_space<vmem>>, vector<10240x128xf32>
    tpu.vector_store %arg2[%swap3A, %swap3A_11], %mul3A_10 {strides = array<i32>} : memref<10240x128xf32, #tpu.memory_space<vmem>>, vector<10240x128xf32>,
    return
  }
}

module attributes {stable_mosaic.version = 14 : i64} {
  func.func @_tc_a1_body(%arg0: memref<10000x128xf32, #tpu.memory_space<vmem>>, %arg1: memref<128x128xf32, #tpu.memory_space<vmem>>, %arg2: memref<10240x128xf32, #tpu.memory_space<vmem>>) attributes {dimension_semantics = [], scalar_prefetch = 0 : i64, scratch_operands = 0 : i64, tpu.core_type = #tpu.core_type<tc>} {
    %get3A = arith.constant 0 : index
    %get3A_0 = arith.constant 0 : index
    %get3A_1 = vector.load %arg0[%get3A, %get3A_0] : memref<10000x128xf32, #tpu.memory_space<vmem>>, vector<10000x128xf32>
    %get3A_2 = arith.constant 0 : index
    %get3A_3 = arith.constant 0 : index
    %get3A_4 = vector.load %arg1[%get3A_2, %get3A_3] : memref<128x128xf32, #tpu.memory_space<vmem>>, vector<128x128xf32>
    %dot_general3A = arith.constant dense<0.000000e+00> : vector<10000x128xf32>
    %dot_general3A_5 = tpu.matmul %get3A_1, %get3A_4, %dot_general3A {dimension_numbers = #tpu.dot_dimension_numbers<[1], [0], [0], [1], [0, 0, 1, 1], [], []>, transpose_lhs_hint = false} : vector<10000x128xf32>, vector<128x128xf32>, vector<10000x128xf32> -> vector<10000x128xf32>
    %swap3A = arith.constant 0 : index
    %swap3A_6 = arith.constant 0 : index
    %swap3A_7 = vector.load %arg2[%swap3A, %swap3A_6] : memref<10240x128xf32, #tpu.memory_space<vmem>>, vector<10000x128xf32>
    tpu.vector_store %arg2[%swap3A, %swap3A_6], %dot_general3A_5 {strides = array<i32>} : memref<10240x128xf32, #tpu.memory_space<vmem>>, vector<10000x128xf32>,
    %broadcast_in_dim3A = arith.constant 0.000000e+00 : f32
    %broadcast_in_dim3A_8 = vector.broadcast %broadcast_in_dim3A : f32 to vector<240x128xf32>
    %swap3A_9 = arith.constant 10000 : index
    %swap3A_10 = arith.constant 0 : index
    %swap3A_11 = vector.load %arg2[%swap3A_9, %swap3A_10] : memref<10240x128xf32, #tpu.memory_space<vmem>>, vector<240x128xf32>
    tpu.vector_store %arg2[%swap3A_9, %swap3A_10], %broadcast_in_dim3A_8 {strides = array<i32>} : memref<10240x128xf32, #tpu.memory_space<vmem>>, vector<240x128xf32>,
    return
  }
}

module attributes {stable_mosaic.version = 14 : i64} {
  func.func @_tc_b_body(%arg0: memref<2x10240x128xf32, #tpu.memory_space<vmem>>, %arg1: memref<10240x128xf32, #tpu.memory_space<vmem>>, %arg2: memref<128x128xf32, #tpu.memory_space<vmem>>, %arg3: memref<128xf32, #tpu.memory_space<vmem>>, %arg4: memref<2x10240xf32, #tpu.memory_space<vmem>>, %arg5: memref<10240x128xf32, #tpu.memory_space<vmem>>, %arg6: memref<10240x128xf32, #tpu.memory_space<vmem>>) attributes {dimension_semantics = [], scalar_prefetch = 0 : i64, scratch_operands = 0 : i64, tpu.core_type = #tpu.core_type<tc>} {
    %get3A = arith.constant 0 : index
    %get3A_0 = arith.constant 0 : index
    %get3A_1 = vector.load %arg4[%get3A, %get3A_0] : memref<2x10240xf32, #tpu.memory_space<vmem>>, vector<2x10240xf32>
    %slice3A = vector.extract_strided_slice %get3A_1 {offsets = [0, 0], sizes = [1, 10240], strides = [1, 1]} : vector<2x10240xf32> to vector<1x10240xf32>
    %squeeze3A = vector.shape_cast %slice3A : vector<1x10240xf32> to vector<10240xf32>
    %slice3A_2 = vector.extract_strided_slice %get3A_1 {offsets = [1, 0], sizes = [1, 10240], strides = [1, 1]} : vector<2x10240xf32> to vector<1x10240xf32>
    %squeeze3A_3 = vector.shape_cast %slice3A_2 : vector<1x10240xf32> to vector<10240xf32>
    %add3A = arith.addf %squeeze3A, %squeeze3A_3 : vector<10240xf32>
    %add3A_4 = arith.constant 1.000000e+00 : f32
    %add3A_5 = vector.broadcast %add3A_4 : f32 to vector<10240xf32>
    %add3A_6 = arith.addf %add3A, %add3A_5 : vector<10240xf32>
    %rsqrt3A = math.rsqrt %add3A_6 : vector<10240xf32>
    %reshape3A = vector.shape_cast %rsqrt3A : vector<10240xf32> to vector<10240x1xf32>
    %get3A_7 = arith.constant 0 : index
    %get3A_8 = arith.constant 0 : index
    %get3A_9 = arith.constant 0 : index
    %get3A_10 = vector.load %arg0[%get3A_7, %get3A_8, %get3A_9] : memref<2x10240x128xf32, #tpu.memory_space<vmem>>, vector<1x10240x128xf32>
    %get3A_11 = vector.shape_cast %get3A_10 : vector<1x10240x128xf32> to vector<10240x128xf32>
    %get3A_12 = arith.constant 1 : index
    %get3A_13 = arith.constant 0 : index
    %get3A_14 = arith.constant 0 : index
    %get3A_15 = vector.load %arg0[%get3A_12, %get3A_13, %get3A_14] : memref<2x10240x128xf32, #tpu.memory_space<vmem>>, vector<1x10240x128xf32>
    %get3A_16 = vector.shape_cast %get3A_15 : vector<1x10240x128xf32> to vector<10240x128xf32>
    %add3A_17 = arith.addf %get3A_11, %get3A_16 : vector<10240x128xf32>
    %mul3A = vector.broadcast %reshape3A : vector<10240x1xf32> to vector<10240x128xf32>
    %mul3A_18 = arith.mulf %mul3A, %add3A_17 : vector<10240x128xf32>
    %mul3A_19 = arith.mulf %reshape3A, %reshape3A : vector<10240x1xf32>
    %get3A_20 = arith.constant 0 : index
    %get3A_21 = arith.constant 0 : index
    %get3A_22 = vector.load %arg1[%get3A_20, %get3A_21] : memref<10240x128xf32, #tpu.memory_space<vmem>>, vector<10240x128xf32>
    %mul3A_23 = vector.broadcast %mul3A_19 : vector<10240x1xf32> to vector<10240x128xf32>
    %mul3A_24 = arith.mulf %mul3A_23, %get3A_22 : vector<10240x128xf32>
    %add3A_25 = arith.addf %mul3A_18, %mul3A_24 : vector<10240x128xf32>
    %get3A_26 = arith.constant 0 : index
    %get3A_27 = vector.load %arg3[%get3A_26] : memref<128xf32, #tpu.memory_space<vmem>>, vector<128xf32>
    %broadcast_in_dim3A = vector.shape_cast %get3A_27 : vector<128xf32> to vector<1x128xf32>
    %add3A_28 = vector.broadcast %broadcast_in_dim3A : vector<1x128xf32> to vector<10240x128xf32>
    %add3A_29 = arith.addf %add3A_25, %add3A_28 : vector<10240x128xf32>
    %max3A = arith.constant 0.000000e+00 : f32
    %max3A_30 = vector.broadcast %max3A : f32 to vector<10240x128xf32>
    %max3A_31 = arith.maximumf %add3A_29, %max3A_30 : vector<10240x128xf32>
    %get3A_32 = arith.constant 0 : index
    %get3A_33 = arith.constant 0 : index
    %get3A_34 = vector.load %arg2[%get3A_32, %get3A_33] : memref<128x128xf32, #tpu.memory_space<vmem>>, vector<128x128xf32>
    %dot_general3A = arith.constant dense<0.000000e+00> : vector<10240x128xf32>
    %dot_general3A_35 = tpu.matmul %max3A_31, %get3A_34, %dot_general3A {dimension_numbers = #tpu.dot_dimension_numbers<[1], [0], [0], [1], [0, 0, 1, 1], [], []>, transpose_lhs_hint = false} : vector<10240x128xf32>, vector<128x128xf32>, vector<10240x128xf32> -> vector<10240x128xf32>
    %swap3A = arith.constant 0 : index
    %swap3A_36 = arith.constant 0 : index
    %swap3A_37 = vector.load %arg5[%swap3A, %swap3A_36] : memref<10240x128xf32, #tpu.memory_space<vmem>>, vector<10240x128xf32>
    tpu.vector_store %arg5[%swap3A, %swap3A_36], %dot_general3A_35 {strides = array<i32>} : memref<10240x128xf32, #tpu.memory_space<vmem>>, vector<10240x128xf32>,
    %mul3A_38 = vector.broadcast %reshape3A : vector<10240x1xf32> to vector<10240x128xf32>
    %mul3A_39 = arith.mulf %dot_general3A_35, %mul3A_38 : vector<10240x128xf32>
    %swap3A_40 = arith.constant 0 : index
    %swap3A_41 = arith.constant 0 : index
    %swap3A_42 = vector.load %arg6[%swap3A_40, %swap3A_41] : memref<10240x128xf32, #tpu.memory_space<vmem>>, vector<10240x128xf32>
    tpu.vector_store %arg6[%swap3A_40, %swap3A_41], %mul3A_39 {strides = array<i32>} : memref<10240x128xf32, #tpu.memory_space<vmem>>, vector<10240x128xf32>,
    return
  }
}

module attributes {stable_mosaic.version = 14 : i64} {
  func.func @_tc_c_body(%arg0: memref<2x10240x128xf32, #tpu.memory_space<vmem>>, %arg1: memref<10240x128xf32, #tpu.memory_space<vmem>>, %arg2: memref<128xf32, #tpu.memory_space<vmem>>, %arg3: memref<2x10240xf32, #tpu.memory_space<vmem>>, %arg4: memref<10240xi32, #tpu.memory_space<vmem>>, %arg5: memref<256x512xf32, #tpu.memory_space<vmem>>, %arg6: memref<128x512xf32, #tpu.memory_space<vmem>>, %arg7: memref<512xf32, #tpu.memory_space<vmem>>, %arg8: memref<512xf32, #tpu.memory_space<vmem>>, %arg9: memref<64x256xf32, #tpu.memory_space<vmem>>) attributes {dimension_semantics = [], scalar_prefetch = 0 : i64, scratch_operands = 0 : i64, tpu.core_type = #tpu.core_type<tc>} {
    %get3A = arith.constant 0 : index
    %get3A_0 = arith.constant 0 : index
    %get3A_1 = vector.load %arg3[%get3A, %get3A_0] : memref<2x10240xf32, #tpu.memory_space<vmem>>, vector<2x10240xf32>
    %slice3A = vector.extract_strided_slice %get3A_1 {offsets = [0, 0], sizes = [1, 10240], strides = [1, 1]} : vector<2x10240xf32> to vector<1x10240xf32>
    %squeeze3A = vector.shape_cast %slice3A : vector<1x10240xf32> to vector<10240xf32>
    %slice3A_2 = vector.extract_strided_slice %get3A_1 {offsets = [1, 0], sizes = [1, 10240], strides = [1, 1]} : vector<2x10240xf32> to vector<1x10240xf32>
    %squeeze3A_3 = vector.shape_cast %slice3A_2 : vector<1x10240xf32> to vector<10240xf32>
    %add3A = arith.addf %squeeze3A, %squeeze3A_3 : vector<10240xf32>
    %add3A_4 = arith.constant 1.000000e+00 : f32
    %add3A_5 = vector.broadcast %add3A_4 : f32 to vector<10240xf32>
    %add3A_6 = arith.addf %add3A, %add3A_5 : vector<10240xf32>
    %rsqrt3A = math.rsqrt %add3A_6 : vector<10240xf32>
    %reshape3A = vector.shape_cast %rsqrt3A : vector<10240xf32> to vector<10240x1xf32>
    %get3A_7 = arith.constant 0 : index
    %get3A_8 = arith.constant 0 : index
    %get3A_9 = arith.constant 0 : index
    %get3A_10 = vector.load %arg0[%get3A_7, %get3A_8, %get3A_9] : memref<2x10240x128xf32, #tpu.memory_space<vmem>>, vector<1x10240x128xf32>
    %get3A_11 = vector.shape_cast %get3A_10 : vector<1x10240x128xf32> to vector<10240x128xf32>
    %get3A_12 = arith.constant 1 : index
    %get3A_13 = arith.constant 0 : index
    %get3A_14 = arith.constant 0 : index
    %get3A_15 = vector.load %arg0[%get3A_12, %get3A_13, %get3A_14] : memref<2x10240x128xf32, #tpu.memory_space<vmem>>, vector<1x10240x128xf32>
    %get3A_16 = vector.shape_cast %get3A_15 : vector<1x10240x128xf32> to vector<10240x128xf32>
    %add3A_17 = arith.addf %get3A_11, %get3A_16 : vector<10240x128xf32>
    %mul3A = vector.broadcast %reshape3A : vector<10240x1xf32> to vector<10240x128xf32>
    %mul3A_18 = arith.mulf %mul3A, %add3A_17 : vector<10240x128xf32>
    %mul3A_19 = arith.mulf %reshape3A, %reshape3A : vector<10240x1xf32>
    %get3A_20 = arith.constant 0 : index
    %get3A_21 = arith.constant 0 : index
    %get3A_22 = vector.load %arg1[%get3A_20, %get3A_21] : memref<10240x128xf32, #tpu.memory_space<vmem>>, vector<10240x128xf32>
    %mul3A_23 = vector.broadcast %mul3A_19 : vector<10240x1xf32> to vector<10240x128xf32>
    %mul3A_24 = arith.mulf %mul3A_23, %get3A_22 : vector<10240x128xf32>
    %add3A_25 = arith.addf %mul3A_18, %mul3A_24 : vector<10240x128xf32>
    %get3A_26 = arith.constant 0 : index
    %get3A_27 = vector.load %arg2[%get3A_26] : memref<128xf32, #tpu.memory_space<vmem>>, vector<128xf32>
    %broadcast_in_dim3A = vector.shape_cast %get3A_27 : vector<128xf32> to vector<1x128xf32>
    %add3A_28 = vector.broadcast %broadcast_in_dim3A : vector<1x128xf32> to vector<10240x128xf32>
    %add3A_29 = arith.addf %add3A_25, %add3A_28 : vector<10240x128xf32>
    %get3A_30 = arith.constant 0 : index
    %get3A_31 = vector.load %arg4[%get3A_30] : memref<10240xi32, #tpu.memory_space<vmem>>, vector<10240xi32>
    %iota3A = tpu.iota {dimensions = array<i32: 0>} : vector<64x10240xi32>
    %broadcast_in_dim3A_32 = vector.shape_cast %get3A_31 : vector<10240xi32> to vector<1x10240xi32>
    %eq3A = vector.broadcast %broadcast_in_dim3A_32 : vector<1x10240xi32> to vector<64x10240xi32>
    %eq3A_33 = arith.cmpi eq, %iota3A, %eq3A : vector<64x10240xi32>
    %convert_element_type3A = arith.extui %eq3A_33 : vector<64x10240xi1> to vector<64x10240xi32>
    %convert_element_type3A_34 = arith.sitofp %convert_element_type3A : vector<64x10240xi32> to vector<64x10240xf32>
    %broadcast_in_dim3A_35 = arith.constant 0.000000e+00 : f32
    %broadcast_in_dim3A_36 = vector.broadcast %broadcast_in_dim3A_35 : f32 to vector<64x128xf32>
    %broadcast_in_dim3A_37 = arith.constant 0.000000e+00 : f32
    %broadcast_in_dim3A_38 = vector.broadcast %broadcast_in_dim3A_37 : f32 to vector<64x128xf32>
    %broadcast_in_dim3A_39 = arith.constant 0.000000e+00 : f32
    %broadcast_in_dim3A_40 = vector.broadcast %broadcast_in_dim3A_39 : f32 to vector<64x256xf32>
    %get3A_41 = arith.constant 0 : index
    %get3A_42 = arith.constant 0 : index
    %get3A_43 = vector.load %arg5[%get3A_41, %get3A_42] : memref<256x512xf32, #tpu.memory_space<vmem>>, vector<256x512xf32>
    %dot_general3A = arith.constant dense<0.000000e+00> : vector<64x512xf32>
    %dot_general3A_44 = tpu.matmul %broadcast_in_dim3A_40, %get3A_43, %dot_general3A {dimension_numbers = #tpu.dot_dimension_numbers<[1], [0], [0], [1], [0, 0, 1, 1], [], []>, transpose_lhs_hint = false} : vector<64x256xf32>, vector<256x512xf32>, vector<64x512xf32> -> vector<64x512xf32>
    %get3A_45 = arith.constant 0 : index
    %get3A_46 = arith.constant 0 : index
    %get3A_47 = vector.load %arg6[%get3A_45, %get3A_46] : memref<128x512xf32, #tpu.memory_space<vmem>>, vector<128x512xf32>
    %dot_general3A_48 = arith.constant dense<0.000000e+00> : vector<64x512xf32>
    %dot_general3A_49 = tpu.matmul %broadcast_in_dim3A_36, %get3A_47, %dot_general3A_48 {dimension_numbers = #tpu.dot_dimension_numbers<[1], [0], [0], [1], [0, 0, 1, 1], [], []>, transpose_lhs_hint = false} : vector<64x128xf32>, vector<128x512xf32>, vector<64x512xf32> -> vector<64x512xf32>
    %add3A_50 = arith.addf %dot_general3A_44, %dot_general3A_49 : vector<64x512xf32>
    %get3A_51 = arith.constant 0 : index
    %get3A_52 = vector.load %arg7[%get3A_51] : memref<512xf32, #tpu.memory_space<vmem>>, vector<512xf32>
    %broadcast_in_dim3A_53 = vector.shape_cast %get3A_52 : vector<512xf32> to vector<1x512xf32>
    %add3A_54 = vector.broadcast %broadcast_in_dim3A_53 : vector<1x512xf32> to vector<64x512xf32>
    %add3A_55 = arith.addf %add3A_50, %add3A_54 : vector<64x512xf32>
    %get3A_56 = arith.constant 0 : index
    %get3A_57 = vector.load %arg8[%get3A_56] : memref<512xf32, #tpu.memory_space<vmem>>, vector<512xf32>
    %broadcast_in_dim3A_58 = vector.shape_cast %get3A_57 : vector<512xf32> to vector<1x512xf32>
    %add3A_59 = vector.broadcast %broadcast_in_dim3A_58 : vector<1x512xf32> to vector<64x512xf32>
    %add3A_60 = arith.addf %add3A_55, %add3A_59 : vector<64x512xf32>
    %slice3A_61 = vector.extract_strided_slice %add3A_60 {offsets = [0, 0], sizes = [64, 128], strides = [1, 1]} : vector<64x512xf32> to vector<64x128xf32>
    %neg3A = arith.constant 0.000000e+00 : f32
    %neg3A_62 = vector.broadcast %neg3A : f32 to vector<64x128xf32>
    %neg3A_63 = arith.subf %neg3A_62, %slice3A_61 : vector<64x128xf32>
    %exp3A = math.exp %neg3A_63 : vector<64x128xf32>
    %add3A_64 = arith.constant 1.000000e+00 : f32
    %add3A_65 = vector.broadcast %add3A_64 : f32 to vector<64x128xf32>
    %add3A_66 = arith.addf %add3A_65, %exp3A : vector<64x128xf32>
    %div3A = arith.constant 1.000000e+00 : f32
    %div3A_67 = vector.broadcast %div3A : f32 to vector<64x128xf32>
    %div3A_68 = arith.divf %div3A_67, %add3A_66 : vector<64x128xf32>
    %slice3A_69 = vector.extract_strided_slice %add3A_60 {offsets = [0, 128], sizes = [64, 128], strides = [1, 1]} : vector<64x512xf32> to vector<64x128xf32>
    %neg3A_70 = arith.constant 0.000000e+00 : f32
    %neg3A_71 = vector.broadcast %neg3A_70 : f32 to vector<64x128xf32>
    %neg3A_72 = arith.subf %neg3A_71, %slice3A_69 : vector<64x128xf32>
    %exp3A_73 = math.exp %neg3A_72 : vector<64x128xf32>
    %add3A_74 = arith.constant 1.000000e+00 : f32
    %add3A_75 = vector.broadcast %add3A_74 : f32 to vector<64x128xf32>
    %add3A_76 = arith.addf %add3A_75, %exp3A_73 : vector<64x128xf32>
    %div3A_77 = arith.constant 1.000000e+00 : f32
    %div3A_78 = vector.broadcast %div3A_77 : f32 to vector<64x128xf32>
    %div3A_79 = arith.divf %div3A_78, %add3A_76 : vector<64x128xf32>
    %slice3A_80 = vector.extract_strided_slice %add3A_60 {offsets = [0, 256], sizes = [64, 128], strides = [1, 1]} : vector<64x512xf32> to vector<64x128xf32>
    %tanh3A = math.tanh %slice3A_80 : vector<64x128xf32>
    %slice3A_81 = vector.extract_strided_slice %add3A_60 {offsets = [0, 384], sizes = [64, 128], strides = [1, 1]} : vector<64x512xf32> to vector<64x128xf32>
    %neg3A_82 = arith.constant 0.000000e+00 : f32
    %neg3A_83 = vector.broadcast %neg3A_82 : f32 to vector<64x128xf32>
    %neg3A_84 = arith.subf %neg3A_83, %slice3A_81 : vector<64x128xf32>
    %exp3A_85 = math.exp %neg3A_84 : vector<64x128xf32>
    %add3A_86 = arith.constant 1.000000e+00 : f32
    %add3A_87 = vector.broadcast %add3A_86 : f32 to vector<64x128xf32>
    %add3A_88 = arith.addf %add3A_87, %exp3A_85 : vector<64x128xf32>
    %div3A_89 = arith.constant 1.000000e+00 : f32
    %div3A_90 = vector.broadcast %div3A_89 : f32 to vector<64x128xf32>
    %div3A_91 = arith.divf %div3A_90, %add3A_88 : vector<64x128xf32>
    %mul3A_92 = arith.mulf %div3A_79, %broadcast_in_dim3A_38 : vector<64x128xf32>
    %mul3A_93 = arith.mulf %div3A_68, %tanh3A : vector<64x128xf32>
    %add3A_94 = arith.addf %mul3A_92, %mul3A_93 : vector<64x128xf32>
    %tanh3A_95 = math.tanh %add3A_94 : vector<64x128xf32>
    %mul3A_96 = arith.mulf %div3A_91, %tanh3A_95 : vector<64x128xf32>
    %dot_general3A_97 = arith.constant dense<0.000000e+00> : vector<64x10240xf32>
    %dot_general3A_98 = tpu.matmul %mul3A_96, %add3A_29, %dot_general3A_97 {dimension_numbers = #tpu.dot_dimension_numbers<[1], [1], [0], [0], [0, 0, 1, 0], [], []>, transpose_lhs_hint = false} : vector<64x128xf32>, vector<10240x128xf32>, vector<64x10240xf32> -> vector<64x10240xf32>
    %jit3A = arith.constant 0.000000e+00 : f32
    %broadcast_in_dim3A_99 = vector.broadcast %jit3A : f32 to vector<64x10240xf32>
    %select_n3A = arith.select %eq3A_33, %dot_general3A_98, %broadcast_in_dim3A_99 : vector<64x10240xi1>, vector<64x10240xf32>
    %reduce_sum3A = arith.constant dense<0.000000e+00> : vector<10240xf32>
    %reduce_sum3A_100 = vector.multi_reduction <add>, %select_n3A, %reduce_sum3A [0] : vector<64x10240xf32> to vector<10240xf32>
    %broadcast_in_dim3A_101 = vector.shape_cast %reduce_sum3A_100 : vector<10240xf32> to vector<1x10240xf32>
    %jit3A_102 = arith.constant 0xFF800000 : f32
    %broadcast_in_dim3A_103 = vector.shape_cast %broadcast_in_dim3A_101 : vector<1x10240xf32> to vector<1x10240xf32>
    %broadcast_in_dim3A_104 = vector.broadcast %broadcast_in_dim3A_103 : vector<1x10240xf32> to vector<64x10240xf32>
    %broadcast_in_dim3A_105 = vector.broadcast %jit3A_102 : f32 to vector<64x10240xf32>
    %select_n3A_106 = arith.select %eq3A_33, %broadcast_in_dim3A_104, %broadcast_in_dim3A_105 : vector<64x10240xi1>, vector<64x10240xf32>
    %reduce_max3A = arith.constant dense<0xFF800000> : vector<64xf32>
    %reduce_max3A_107 = vector.multi_reduction <maximumf>, %select_n3A_106, %reduce_max3A [1] : vector<64x10240xf32> to vector<64xf32>
    %abs3A = math.absf %reduce_max3A_107 : vector<64xf32>
    %lt3A = arith.constant 0x7F800000 : f32
    %lt3A_108 = vector.broadcast %lt3A : f32 to vector<64xf32>
    %lt3A_109 = arith.cmpf olt, %abs3A, %lt3A_108 : vector<64xf32>
    %jit3A_110 = arith.constant 0.000000e+00 : f32
    %broadcast_in_dim3A_111 = vector.broadcast %jit3A_110 : f32 to vector<64xf32>
    %select_n3A_112 = arith.select %lt3A_109, %reduce_max3A_107, %broadcast_in_dim3A_111 : vector<64xi1>, vector<64xf32>
    %broadcast_in_dim3A_113 = vector.shape_cast %select_n3A_112 : vector<64xf32> to vector<64x1xf32>
    %mul3A_114 = vector.broadcast %broadcast_in_dim3A_113 : vector<64x1xf32> to vector<64x10240xf32>
    %mul3A_115 = arith.mulf %convert_element_type3A_34, %mul3A_114 : vector<64x10240xf32>
    %reduce_sum3A_116 = arith.constant dense<0.000000e+00> : vector<10240xf32>
    %reduce_sum3A_117 = vector.multi_reduction <add>, %mul3A_115, %reduce_sum3A_116 [0] : vector<64x10240xf32> to vector<10240xf32>
    %sub3A = arith.subf %reduce_sum3A_100, %reduce_sum3A_117 : vector<10240xf32>
    %exp3A_118 = math.exp %sub3A : vector<10240xf32>
    %broadcast_in_dim3A_119 = vector.shape_cast %exp3A_118 : vector<10240xf32> to vector<1x10240xf32>
    %mul3A_120 = vector.broadcast %broadcast_in_dim3A_119 : vector<1x10240xf32> to vector<64x10240xf32>
    %mul3A_121 = arith.mulf %convert_element_type3A_34, %mul3A_120 : vector<64x10240xf32>
    %reduce_sum3A_122 = arith.constant dense<0.000000e+00> : vector<64xf32>
    %reduce_sum3A_123 = vector.multi_reduction <add>, %mul3A_121, %reduce_sum3A_122 [1] : vector<64x10240xf32> to vector<64xf32>
    %dot_general3A_124 = arith.constant dense<0.000000e+00> : vector<64x128xf32>
    %dot_general3A_125 = tpu.matmul %mul3A_121, %add3A_29, %dot_general3A_124 {dimension_numbers = #tpu.dot_dimension_numbers<[1], [0], [0], [1], [0, 0, 1, 1], [], []>, transpose_lhs_hint = false} : vector<64x10240xf32>, vector<10240x128xf32>, vector<64x128xf32> -> vector<64x128xf32>
    %broadcast_in_dim3A_126 = vector.shape_cast %reduce_sum3A_123 : vector<64xf32> to vector<64x1xf32>
    %add3A_127 = arith.constant 1.000000e-16 : f32
    %add3A_128 = vector.broadcast %add3A_127 : f32 to vector<64x1xf32>
    %add3A_129 = arith.addf %broadcast_in_dim3A_126, %add3A_128 : vector<64x1xf32>
    %div3A_130 = vector.broadcast %add3A_129 : vector<64x1xf32> to vector<64x128xf32>
    %div3A_131 = arith.divf %dot_general3A_125, %div3A_130 : vector<64x128xf32>
    %concatenate3A = tpu.concatenate %mul3A_96, %div3A_131 in 1 : vector<64x128xf32>, vector<64x128xf32> -> vector<64x256xf32>
    %get3A_132 = arith.constant 0 : index
    %get3A_133 = arith.constant 0 : index
    %get3A_134 = vector.load %arg5[%get3A_132, %get3A_133] : memref<256x512xf32, #tpu.memory_space<vmem>>, vector<256x512xf32>
    %dot_general3A_135 = arith.constant dense<0.000000e+00> : vector<64x512xf32>
    %dot_general3A_136 = tpu.matmul %concatenate3A, %get3A_134, %dot_general3A_135 {dimension_numbers = #tpu.dot_dimension_numbers<[1], [0], [0], [1], [0, 0, 1, 1], [], []>, transpose_lhs_hint = false} : vector<64x256xf32>, vector<256x512xf32>, vector<64x512xf32> -> vector<64x512xf32>
    %get3A_137 = arith.constant 0 : index
    %get3A_138 = arith.constant 0 : index
    %get3A_139 = vector.load %arg6[%get3A_137, %get3A_138] : memref<128x512xf32, #tpu.memory_space<vmem>>, vector<128x512xf32>
    %dot_general3A_140 = arith.constant dense<0.000000e+00> : vector<64x512xf32>
    %dot_general3A_141 = tpu.matmul %mul3A_96, %get3A_139, %dot_general3A_140 {dimension_numbers = #tpu.dot_dimension_numbers<[1], [0], [0], [1], [0, 0, 1, 1], [], []>, transpose_lhs_hint = false} : vector<64x128xf32>, vector<128x512xf32>, vector<64x512xf32> -> vector<64x512xf32>
    %add3A_142 = arith.addf %dot_general3A_136, %dot_general3A_141 : vector<64x512xf32>
    %get3A_143 = arith.constant 0 : index
    %get3A_144 = vector.load %arg7[%get3A_143] : memref<512xf32, #tpu.memory_space<vmem>>, vector<512xf32>
    %broadcast_in_dim3A_145 = vector.shape_cast %get3A_144 : vector<512xf32> to vector<1x512xf32>
    %add3A_146 = vector.broadcast %broadcast_in_dim3A_145 : vector<1x512xf32> to vector<64x512xf32>
    %add3A_147 = arith.addf %add3A_142, %add3A_146 : vector<64x512xf32>
    %get3A_148 = arith.constant 0 : index
    %get3A_149 = vector.load %arg8[%get3A_148] : memref<512xf32, #tpu.memory_space<vmem>>, vector<512xf32>
    %broadcast_in_dim3A_150 = vector.shape_cast %get3A_149 : vector<512xf32> to vector<1x512xf32>
    %add3A_151 = vector.broadcast %broadcast_in_dim3A_150 : vector<1x512xf32> to vector<64x512xf32>
    %add3A_152 = arith.addf %add3A_147, %add3A_151 : vector<64x512xf32>
    %slice3A_153 = vector.extract_strided_slice %add3A_152 {offsets = [0, 0], sizes = [64, 128], strides = [1, 1]} : vector<64x512xf32> to vector<64x128xf32>
    %neg3A_154 = arith.constant 0.000000e+00 : f32
    %neg3A_155 = vector.broadcast %neg3A_154 : f32 to vector<64x128xf32>
    %neg3A_156 = arith.subf %neg3A_155, %slice3A_153 : vector<64x128xf32>
    %exp3A_157 = math.exp %neg3A_156 : vector<64x128xf32>
    %add3A_158 = arith.constant 1.000000e+00 : f32
    %add3A_159 = vector.broadcast %add3A_158 : f32 to vector<64x128xf32>
    %add3A_160 = arith.addf %add3A_159, %exp3A_157 : vector<64x128xf32>
    %div3A_161 = arith.constant 1.000000e+00 : f32
    %div3A_162 = vector.broadcast %div3A_161 : f32 to vector<64x128xf32>
    %div3A_163 = arith.divf %div3A_162, %add3A_160 : vector<64x128xf32>
    %slice3A_164 = vector.extract_strided_slice %add3A_152 {offsets = [0, 128], sizes = [64, 128], strides = [1, 1]} : vector<64x512xf32> to vector<64x128xf32>
    %neg3A_165 = arith.constant 0.000000e+00 : f32
    %neg3A_166 = vector.broadcast %neg3A_165 : f32 to vector<64x128xf32>
    %neg3A_167 = arith.subf %neg3A_166, %slice3A_164 : vector<64x128xf32>
    %exp3A_168 = math.exp %neg3A_167 : vector<64x128xf32>
    %add3A_169 = arith.constant 1.000000e+00 : f32
    %add3A_170 = vector.broadcast %add3A_169 : f32 to vector<64x128xf32>
    %add3A_171 = arith.addf %add3A_170, %exp3A_168 : vector<64x128xf32>
    %div3A_172 = arith.constant 1.000000e+00 : f32
    %div3A_173 = vector.broadcast %div3A_172 : f32 to vector<64x128xf32>
    %div3A_174 = arith.divf %div3A_173, %add3A_171 : vector<64x128xf32>
    %slice3A_175 = vector.extract_strided_slice %add3A_152 {offsets = [0, 256], sizes = [64, 128], strides = [1, 1]} : vector<64x512xf32> to vector<64x128xf32>
    %tanh3A_176 = math.tanh %slice3A_175 : vector<64x128xf32>
    %slice3A_177 = vector.extract_strided_slice %add3A_152 {offsets = [0, 384], sizes = [64, 128], strides = [1, 1]} : vector<64x512xf32> to vector<64x128xf32>
    %neg3A_178 = arith.constant 0.000000e+00 : f32
    %neg3A_179 = vector.broadcast %neg3A_178 : f32 to vector<64x128xf32>
    %neg3A_180 = arith.subf %neg3A_179, %slice3A_177 : vector<64x128xf32>
    %exp3A_181 = math.exp %neg3A_180 : vector<64x128xf32>
    %add3A_182 = arith.constant 1.000000e+00 : f32
    %add3A_183 = vector.broadcast %add3A_182 : f32 to vector<64x128xf32>
    %add3A_184 = arith.addf %add3A_183, %exp3A_181 : vector<64x128xf32>
    %div3A_185 = arith.constant 1.000000e+00 : f32
    %div3A_186 = vector.broadcast %div3A_185 : f32 to vector<64x128xf32>
    %div3A_187 = arith.divf %div3A_186, %add3A_184 : vector<64x128xf32>
    %mul3A_188 = arith.mulf %div3A_174, %add3A_94 : vector<64x128xf32>
    %mul3A_189 = arith.mulf %div3A_163, %tanh3A_176 : vector<64x128xf32>
    %add3A_190 = arith.addf %mul3A_188, %mul3A_189 : vector<64x128xf32>
    %tanh3A_191 = math.tanh %add3A_190 : vector<64x128xf32>
    %mul3A_192 = arith.mulf %div3A_187, %tanh3A_191 : vector<64x128xf32>
    %dot_general3A_193 = arith.constant dense<0.000000e+00> : vector<64x10240xf32>
    %dot_general3A_194 = tpu.matmul %mul3A_192, %add3A_29, %dot_general3A_193 {dimension_numbers = #tpu.dot_dimension_numbers<[1], [1], [0], [0], [0, 0, 1, 0], [], []>, transpose_lhs_hint = false} : vector<64x128xf32>, vector<10240x128xf32>, vector<64x10240xf32> -> vector<64x10240xf32>
    %jit3A_195 = arith.constant 0.000000e+00 : f32
    %broadcast_in_dim3A_196 = vector.broadcast %jit3A_195 : f32 to vector<64x10240xf32>
    %select_n3A_197 = arith.select %eq3A_33, %dot_general3A_194, %broadcast_in_dim3A_196 : vector<64x10240xi1>, vector<64x10240xf32>
    %reduce_sum3A_198 = arith.constant dense<0.000000e+00> : vector<10240xf32>
    %reduce_sum3A_199 = vector.multi_reduction <add>, %select_n3A_197, %reduce_sum3A_198 [0] : vector<64x10240xf32> to vector<10240xf32>
    %broadcast_in_dim3A_200 = vector.shape_cast %reduce_sum3A_199 : vector<10240xf32> to vector<1x10240xf32>
    %jit3A_201 = arith.constant 0xFF800000 : f32
    %broadcast_in_dim3A_202 = vector.shape_cast %broadcast_in_dim3A_200 : vector<1x10240xf32> to vector<1x10240xf32>
    %broadcast_in_dim3A_203 = vector.broadcast %broadcast_in_dim3A_202 : vector<1x10240xf32> to vector<64x10240xf32>
    %broadcast_in_dim3A_204 = vector.broadcast %jit3A_201 : f32 to vector<64x10240xf32>
    %select_n3A_205 = arith.select %eq3A_33, %broadcast_in_dim3A_203, %broadcast_in_dim3A_204 : vector<64x10240xi1>, vector<64x10240xf32>
    %reduce_max3A_206 = arith.constant dense<0xFF800000> : vector<64xf32>
    %reduce_max3A_207 = vector.multi_reduction <maximumf>, %select_n3A_205, %reduce_max3A_206 [1] : vector<64x10240xf32> to vector<64xf32>
    %abs3A_208 = math.absf %reduce_max3A_207 : vector<64xf32>
    %lt3A_209 = arith.constant 0x7F800000 : f32
    %lt3A_210 = vector.broadcast %lt3A_209 : f32 to vector<64xf32>
    %lt3A_211 = arith.cmpf olt, %abs3A_208, %lt3A_210 : vector<64xf32>
    %jit3A_212 = arith.constant 0.000000e+00 : f32
    %broadcast_in_dim3A_213 = vector.broadcast %jit3A_212 : f32 to vector<64xf32>
    %select_n3A_214 = arith.select %lt3A_211, %reduce_max3A_207, %broadcast_in_dim3A_213 : vector<64xi1>, vector<64xf32>
    %broadcast_in_dim3A_215 = vector.shape_cast %select_n3A_214 : vector<64xf32> to vector<64x1xf32>
    %mul3A_216 = vector.broadcast %broadcast_in_dim3A_215 : vector<64x1xf32> to vector<64x10240xf32>
    %mul3A_217 = arith.mulf %convert_element_type3A_34, %mul3A_216 : vector<64x10240xf32>
    %reduce_sum3A_218 = arith.constant dense<0.000000e+00> : vector<10240xf32>
    %reduce_sum3A_219 = vector.multi_reduction <add>, %mul3A_217, %reduce_sum3A_218 [0] : vector<64x10240xf32> to vector<10240xf32>
    %sub3A_220 = arith.subf %reduce_sum3A_199, %reduce_sum3A_219 : vector<10240xf32>
    %exp3A_221 = math.exp %sub3A_220 : vector<10240xf32>
    %broadcast_in_dim3A_222 = vector.shape_cast %exp3A_221 : vector<10240xf32> to vector<1x10240xf32>
    %mul3A_223 = vector.broadcast %broadcast_in_dim3A_222 : vector<1x10240xf32> to vector<64x10240xf32>
    %mul3A_224 = arith.mulf %convert_element_type3A_34, %mul3A_223 : vector<64x10240xf32>
    %reduce_sum3A_225 = arith.constant dense<0.000000e+00> : vector<64xf32>
    %reduce_sum3A_226 = vector.multi_reduction <add>, %mul3A_224, %reduce_sum3A_225 [1] : vector<64x10240xf32> to vector<64xf32>
    %dot_general3A_227 = arith.constant dense<0.000000e+00> : vector<64x128xf32>
    %dot_general3A_228 = tpu.matmul %mul3A_224, %add3A_29, %dot_general3A_227 {dimension_numbers = #tpu.dot_dimension_numbers<[1], [0], [0], [1], [0, 0, 1, 1], [], []>, transpose_lhs_hint = false} : vector<64x10240xf32>, vector<10240x128xf32>, vector<64x128xf32> -> vector<64x128xf32>
    %broadcast_in_dim3A_229 = vector.shape_cast %reduce_sum3A_226 : vector<64xf32> to vector<64x1xf32>
    %add3A_230 = arith.constant 1.000000e-16 : f32
    %add3A_231 = vector.broadcast %add3A_230 : f32 to vector<64x1xf32>
    %add3A_232 = arith.addf %broadcast_in_dim3A_229, %add3A_231 : vector<64x1xf32>
    %div3A_233 = vector.broadcast %add3A_232 : vector<64x1xf32> to vector<64x128xf32>
    %div3A_234 = arith.divf %dot_general3A_228, %div3A_233 : vector<64x128xf32>
    %concatenate3A_235 = tpu.concatenate %mul3A_192, %div3A_234 in 1 : vector<64x128xf32>, vector<64x128xf32> -> vector<64x256xf32>
    %get3A_236 = arith.constant 0 : index
    %get3A_237 = arith.constant 0 : index
    %get3A_238 = vector.load %arg5[%get3A_236, %get3A_237] : memref<256x512xf32, #tpu.memory_space<vmem>>, vector<256x512xf32>
    %dot_general3A_239 = arith.constant dense<0.000000e+00> : vector<64x512xf32>
    %dot_general3A_240 = tpu.matmul %concatenate3A_235, %get3A_238, %dot_general3A_239 {dimension_numbers = #tpu.dot_dimension_numbers<[1], [0], [0], [1], [0, 0, 1, 1], [], []>, transpose_lhs_hint = false} : vector<64x256xf32>, vector<256x512xf32>, vector<64x512xf32> -> vector<64x512xf32>
    %get3A_241 = arith.constant 0 : index
    %get3A_242 = arith.constant 0 : index
    %get3A_243 = vector.load %arg6[%get3A_241, %get3A_242] : memref<128x512xf32, #tpu.memory_space<vmem>>, vector<128x512xf32>
    %dot_general3A_244 = arith.constant dense<0.000000e+00> : vector<64x512xf32>
    %dot_general3A_245 = tpu.matmul %mul3A_192, %get3A_243, %dot_general3A_244 {dimension_numbers = #tpu.dot_dimension_numbers<[1], [0], [0], [1], [0, 0, 1, 1], [], []>, transpose_lhs_hint = false} : vector<64x128xf32>, vector<128x512xf32>, vector<64x512xf32> -> vector<64x512xf32>
    %add3A_246 = arith.addf %dot_general3A_240, %dot_general3A_245 : vector<64x512xf32>
    %get3A_247 = arith.constant 0 : index
    %get3A_248 = vector.load %arg7[%get3A_247] : memref<512xf32, #tpu.memory_space<vmem>>, vector<512xf32>
    %broadcast_in_dim3A_249 = vector.shape_cast %get3A_248 : vector<512xf32> to vector<1x512xf32>
    %add3A_250 = vector.broadcast %broadcast_in_dim3A_249 : vector<1x512xf32> to vector<64x512xf32>
    %add3A_251 = arith.addf %add3A_246, %add3A_250 : vector<64x512xf32>
    %get3A_252 = arith.constant 0 : index
    %get3A_253 = vector.load %arg8[%get3A_252] : memref<512xf32, #tpu.memory_space<vmem>>, vector<512xf32>
    %broadcast_in_dim3A_254 = vector.shape_cast %get3A_253 : vector<512xf32> to vector<1x512xf32>
    %add3A_255 = vector.broadcast %broadcast_in_dim3A_254 : vector<1x512xf32> to vector<64x512xf32>
    %add3A_256 = arith.addf %add3A_251, %add3A_255 : vector<64x512xf32>
    %slice3A_257 = vector.extract_strided_slice %add3A_256 {offsets = [0, 0], sizes = [64, 128], strides = [1, 1]} : vector<64x512xf32> to vector<64x128xf32>
    %neg3A_258 = arith.constant 0.000000e+00 : f32
    %neg3A_259 = vector.broadcast %neg3A_258 : f32 to vector<64x128xf32>
    %neg3A_260 = arith.subf %neg3A_259, %slice3A_257 : vector<64x128xf32>
    %exp3A_261 = math.exp %neg3A_260 : vector<64x128xf32>
    %add3A_262 = arith.constant 1.000000e+00 : f32
    %add3A_263 = vector.broadcast %add3A_262 : f32 to vector<64x128xf32>
    %add3A_264 = arith.addf %add3A_263, %exp3A_261 : vector<64x128xf32>
    %div3A_265 = arith.constant 1.000000e+00 : f32
    %div3A_266 = vector.broadcast %div3A_265 : f32 to vector<64x128xf32>
    %div3A_267 = arith.divf %div3A_266, %add3A_264 : vector<64x128xf32>
    %slice3A_268 = vector.extract_strided_slice %add3A_256 {offsets = [0, 128], sizes = [64, 128], strides = [1, 1]} : vector<64x512xf32> to vector<64x128xf32>
    %neg3A_269 = arith.constant 0.000000e+00 : f32
    %neg3A_270 = vector.broadcast %neg3A_269 : f32 to vector<64x128xf32>
    %neg3A_271 = arith.subf %neg3A_270, %slice3A_268 : vector<64x128xf32>
    %exp3A_272 = math.exp %neg3A_271 : vector<64x128xf32>
    %add3A_273 = arith.constant 1.000000e+00 : f32
    %add3A_274 = vector.broadcast %add3A_273 : f32 to vector<64x128xf32>
    %add3A_275 = arith.addf %add3A_274, %exp3A_272 : vector<64x128xf32>
    %div3A_276 = arith.constant 1.000000e+00 : f32
    %div3A_277 = vector.broadcast %div3A_276 : f32 to vector<64x128xf32>
    %div3A_278 = arith.divf %div3A_277, %add3A_275 : vector<64x128xf32>
    %slice3A_279 = vector.extract_strided_slice %add3A_256 {offsets = [0, 256], sizes = [64, 128], strides = [1, 1]} : vector<64x512xf32> to vector<64x128xf32>
    %tanh3A_280 = math.tanh %slice3A_279 : vector<64x128xf32>
    %slice3A_281 = vector.extract_strided_slice %add3A_256 {offsets = [0, 384], sizes = [64, 128], strides = [1, 1]} : vector<64x512xf32> to vector<64x128xf32>
    %neg3A_282 = arith.constant 0.000000e+00 : f32
    %neg3A_283 = vector.broadcast %neg3A_282 : f32 to vector<64x128xf32>
    %neg3A_284 = arith.subf %neg3A_283, %slice3A_281 : vector<64x128xf32>
    %exp3A_285 = math.exp %neg3A_284 : vector<64x128xf32>
    %add3A_286 = arith.constant 1.000000e+00 : f32
    %add3A_287 = vector.broadcast %add3A_286 : f32 to vector<64x128xf32>
    %add3A_288 = arith.addf %add3A_287, %exp3A_285 : vector<64x128xf32>
    %div3A_289 = arith.constant 1.000000e+00 : f32
    %div3A_290 = vector.broadcast %div3A_289 : f32 to vector<64x128xf32>
    %div3A_291 = arith.divf %div3A_290, %add3A_288 : vector<64x128xf32>
    %mul3A_292 = arith.mulf %div3A_278, %add3A_190 : vector<64x128xf32>
    %mul3A_293 = arith.mulf %div3A_267, %tanh3A_280 : vector<64x128xf32>
    %add3A_294 = arith.addf %mul3A_292, %mul3A_293 : vector<64x128xf32>
    %tanh3A_295 = math.tanh %add3A_294 : vector<64x128xf32>
    %mul3A_296 = arith.mulf %div3A_291, %tanh3A_295 : vector<64x128xf32>
    %dot_general3A_297 = arith.constant dense<0.000000e+00> : vector<64x10240xf32>
    %dot_general3A_298 = tpu.matmul %mul3A_296, %add3A_29, %dot_general3A_297 {dimension_numbers = #tpu.dot_dimension_numbers<[1], [1], [0], [0], [0, 0, 1, 0], [], []>, transpose_lhs_hint = false} : vector<64x128xf32>, vector<10240x128xf32>, vector<64x10240xf32> -> vector<64x10240xf32>
    %jit3A_299 = arith.constant 0.000000e+00 : f32
    %broadcast_in_dim3A_300 = vector.broadcast %jit3A_299 : f32 to vector<64x10240xf32>
    %select_n3A_301 = arith.select %eq3A_33, %dot_general3A_298, %broadcast_in_dim3A_300 : vector<64x10240xi1>, vector<64x10240xf32>
    %reduce_sum3A_302 = arith.constant dense<0.000000e+00> : vector<10240xf32>
    %reduce_sum3A_303 = vector.multi_reduction <add>, %select_n3A_301, %reduce_sum3A_302 [0] : vector<64x10240xf32> to vector<10240xf32>
    %broadcast_in_dim3A_304 = vector.shape_cast %reduce_sum3A_303 : vector<10240xf32> to vector<1x10240xf32>
    %jit3A_305 = arith.constant 0xFF800000 : f32
    %broadcast_in_dim3A_306 = vector.shape_cast %broadcast_in_dim3A_304 : vector<1x10240xf32> to vector<1x10240xf32>
    %broadcast_in_dim3A_307 = vector.broadcast %broadcast_in_dim3A_306 : vector<1x10240xf32> to vector<64x10240xf32>
    %broadcast_in_dim3A_308 = vector.broadcast %jit3A_305 : f32 to vector<64x10240xf32>
    %select_n3A_309 = arith.select %eq3A_33, %broadcast_in_dim3A_307, %broadcast_in_dim3A_308 : vector<64x10240xi1>, vector<64x10240xf32>
    %reduce_max3A_310 = arith.constant dense<0xFF800000> : vector<64xf32>
    %reduce_max3A_311 = vector.multi_reduction <maximumf>, %select_n3A_309, %reduce_max3A_310 [1] : vector<64x10240xf32> to vector<64xf32>
    %abs3A_312 = math.absf %reduce_max3A_311 : vector<64xf32>
    %lt3A_313 = arith.constant 0x7F800000 : f32
    %lt3A_314 = vector.broadcast %lt3A_313 : f32 to vector<64xf32>
    %lt3A_315 = arith.cmpf olt, %abs3A_312, %lt3A_314 : vector<64xf32>
    %jit3A_316 = arith.constant 0.000000e+00 : f32
    %broadcast_in_dim3A_317 = vector.broadcast %jit3A_316 : f32 to vector<64xf32>
    %select_n3A_318 = arith.select %lt3A_315, %reduce_max3A_311, %broadcast_in_dim3A_317 : vector<64xi1>, vector<64xf32>
    %broadcast_in_dim3A_319 = vector.shape_cast %select_n3A_318 : vector<64xf32> to vector<64x1xf32>
    %mul3A_320 = vector.broadcast %broadcast_in_dim3A_319 : vector<64x1xf32> to vector<64x10240xf32>
    %mul3A_321 = arith.mulf %convert_element_type3A_34, %mul3A_320 : vector<64x10240xf32>
    %reduce_sum3A_322 = arith.constant dense<0.000000e+00> : vector<10240xf32>
    %reduce_sum3A_323 = vector.multi_reduction <add>, %mul3A_321, %reduce_sum3A_322 [0] : vector<64x10240xf32> to vector<10240xf32>
    %sub3A_324 = arith.subf %reduce_sum3A_303, %reduce_sum3A_323 : vector<10240xf32>
    %exp3A_325 = math.exp %sub3A_324 : vector<10240xf32>
    %broadcast_in_dim3A_326 = vector.shape_cast %exp3A_325 : vector<10240xf32> to vector<1x10240xf32>
    %mul3A_327 = vector.broadcast %broadcast_in_dim3A_326 : vector<1x10240xf32> to vector<64x10240xf32>
    %mul3A_328 = arith.mulf %convert_element_type3A_34, %mul3A_327 : vector<64x10240xf32>
    %reduce_sum3A_329 = arith.constant dense<0.000000e+00> : vector<64xf32>
    %reduce_sum3A_330 = vector.multi_reduction <add>, %mul3A_328, %reduce_sum3A_329 [1] : vector<64x10240xf32> to vector<64xf32>
    %dot_general3A_331 = arith.constant dense<0.000000e+00> : vector<64x128xf32>
    %dot_general3A_332 = tpu.matmul %mul3A_328, %add3A_29, %dot_general3A_331 {dimension_numbers = #tpu.dot_dimension_numbers<[1], [0], [0], [1], [0, 0, 1, 1], [], []>, transpose_lhs_hint = false} : vector<64x10240xf32>, vector<10240x128xf32>, vector<64x128xf32> -> vector<64x128xf32>
    %broadcast_in_dim3A_333 = vector.shape_cast %reduce_sum3A_330 : vector<64xf32> to vector<64x1xf32>
    %add3A_334 = arith.constant 1.000000e-16 : f32
    %add3A_335 = vector.broadcast %add3A_334 : f32 to vector<64x1xf32>
    %add3A_336 = arith.addf %broadcast_in_dim3A_333, %add3A_335 : vector<64x1xf32>
    %div3A_337 = vector.broadcast %add3A_336 : vector<64x1xf32> to vector<64x128xf32>
    %div3A_338 = arith.divf %dot_general3A_332, %div3A_337 : vector<64x128xf32>
    %concatenate3A_339 = tpu.concatenate %mul3A_296, %div3A_338 in 1 : vector<64x128xf32>, vector<64x128xf32> -> vector<64x256xf32>
    %swap3A = arith.constant 0 : index
    %swap3A_340 = arith.constant 0 : index
    %swap3A_341 = vector.load %arg9[%swap3A, %swap3A_340] : memref<64x256xf32, #tpu.memory_space<vmem>>, vector<64x256xf32>
    tpu.vector_store %arg9[%swap3A, %swap3A_340], %concatenate3A_339 {strides = array<i32>} : memref<64x256xf32, #tpu.memory_space<vmem>>, vector<64x256xf32>,
    return
  }
}

</mosaic_0001>

<sc_bundles>
// kernel: kernel.12.cloned.1.call-start
scs
__scs_entry_jumppad:
0x0: {  	(pc) =	sbr.rel $0x88, $3  }
0x1: {  	(tag) =	ssettag $0x0;
	lr =	simm.s32 $0x1  }
0x2: {  	[smem:$0x3F96] =	sst lr;
	_ =	strace $0xD0000000  }
0x3: {  	_ = 	snop  }
0x4: {  	_ = 	snop  }
0x5: {  	_ = 	snop  }
0x6: {  	_ = 	snop  }
0x7: {  	_ = 	snop  }
__scs_overlays_trampoline_lowered:
0x8: {  	[smem:$0x3FA5] =	sst s0  }
0x9: {  	[smem:$0x3FA6] =	sst s1  }
0xa: {  	[smem:$0x3FA7] =	sst s2  }
0xb: {  	[smem:$0x3FA8] =	sst s3  }
0xc: {  	[smem:$0x3FA9] =	sst s4  }
0xd: {  	[smem:$0x3FAA] =	sst s5  }
0xe: {  	[smem:$0x3FAB] =	sst s6  }
0xf: {  	[smem:$0x3FAC] =	sst s7  }
0x10: {  	[smem:$0x3FAD] =	sst s8  }
0x11: {  	[smem:$0x3FAE] =	sst s9;
	s0 =	simm.s32 @!p0 $0x0  }
0x12: {  	s1 =	sld [smem:$0x3F94];
	s0 =	simm.s32 @p0 $0x1  }
0x13: {  	[smem:$0x3FAF] =	sst s0;
	s0 =	simm.s32 @!p1 $0x0  }
0x14: {  	s2 =	sld [smem:$0x3F93];
	s0 =	simm.s32 @p1 $0x1  }
0x15: {  	[smem:$0x3FB0] =	sst s0;
	s0 =	simm.s32 @!p2 $0x0  }
0x16: {  	s3 =	sld [smem:$0x3FDB];
	s0 =	simm.s32 @p2 $0x1  }
0x17: {  	s4 =	simm.s32 $0x1BF5;
	[smem:$0x3FB2] =	sst s0  }
0x18: {  	s0 =	sld [smem:$0x3F95];
	_ =	swait.ge [sflag:s4], $0x0  }
0x19: {  	s7 =	sld [smem:$0x3F96]  }
0x1a: {  	s8 =	sadd.s32 $0xFFFFE003, lr  }
0x1b: {  	s9 =	sadd.s32 $0xFFFFFEF7, lr;
	s5 =	simm.s32 $0xFFFFFFFF;
	p2 =	slt.u32 s8, $0xFFFFF086  }
0x1c: {  	p1 =	slt.u32 s9, $0xF7A;
	s5 =	simm.s32 @!p2 $0x0  }
0x1d: {  	s5 =	simm.s32 @p1 $0x1;
	p0 =	seq.s32 s7, s2  }
0x1e: {  	s7 =	smul.u32 @!p0 $0xF7A, s2;
	p2 =	seq.s32 @!p0 s5, $0x0  }
0x1f: {  	s9 =	smul.u32 $0xF7A, s1;
	s8 =	simm.s32 @!p0 $0x1BF5;
	p2 =	por !p2, p0  }
0x20: {  	[sflag:s8] =	ssyncset.s32 @!p0 $0xFFFFF086;
	s6 =	sadd.s32 @!p0 s3, s7;
	s7 =	simm.s32 @!p0 $0x108  }
0x21: {  	s3 =	sadd.s32 s3, s9;
	s6 =	sadd.s32 @!p0 $0x88, s6;
	s7 =	simm.s32 @p2 $0x1082  }
0x22: {  	[simem:s7], [sflag:s8] =	dma.local @!p0 [hbm:s6], $0xF7A  }
0x23: {  	s9 =	sor.u32 $0xD0000000, s2;
	s6 =	simm.s32 $0x108;
	_ =	swait.ge @!p0 [sflag:s8], $0x0  }
0x24: {  	s3 =	sadd.s32 $0x88, s3;
	s6 =	simm.s32 @!p1 $0x1082;
	[sflag:s4] =	ssyncset.s32 $0xFFFFF086  }
0x25: {  	[simem:s6], [sflag:s4] =	dma.local [hbm:s3], $0xF7A  }
0x26: {  	[smem:$0x3F96] =	sst s1;
	(tag) =	ssettag s2;
	_ =	strace s9  }
0x27: {  	s1 =	sld [smem:$0x3FA6]  }
0x28: {  	s2 =	sld [smem:$0x3FA7]  }
0x29: {  	s4 =	sld [smem:$0x3FA9]  }
0x2a: {  	p0 =	seq.s32 s5, $0x0;
	s5 =	sld [smem:$0x3FAA]  }
0x2b: {  	s6 =	sld [smem:$0x3FAB]  }
0x2c: {  	s7 =	sld [smem:$0x3FAC]  }
0x2d: {  	s3 =	simm.s32 $0x108;
	s8 =	sld [smem:$0x3FAD]  }
0x2e: {  	s3 =	simm.s32 @!p0 $0x1082;
	s9 =	sld [smem:$0x3FAE]  }
0x2f: {  	lr =	sadd.s32 s0, s3;
	s0 =	sld [smem:$0x3FA5]  }
0x30: {  	s3 =	sld [smem:$0x3FA8]  }
0x31: {  	[smem:$0x3FB1] =	sst s10  }
0x32: {  	s10 =	sld [smem:$0x3FAF];
	_ =	sdelay $0x3  }
0x33: {  	p0 =	seq.s32 s10, $0x1;
	s10 =	sld [smem:$0x3FB1];
	_ =	sdelay $0x3  }
0x34: {  	[smem:$0x3FB1] =	sst s10  }
0x35: {  	s10 =	sld [smem:$0x3FB0];
	_ =	sdelay $0x3  }
0x36: {  	p1 =	seq.s32 s10, $0x1;
	s10 =	sld [smem:$0x3FB1];
	_ =	sdelay $0x3  }
0x37: {  	[smem:$0x3FB1] =	sst s10  }
0x38: {  	s10 =	sld [smem:$0x3FB2]  }
0x39: {  	_ = 	snop;
	(pc) =	sbr.ind lr, $3  }
0x3a: {  	_ = 	snop  }
0x3b: {  	_ = 	snop  }
0x3c: {  	p2 =	seq.s32 s10, $0x1;
	s10 =	sld [smem:$0x3FB1]  }
0x3d: {  	_ =	shalt  }
0x3e: {  	_ =	shalt  }
0x3f: {  	_ =	shalt  }
0x40: {  	_ =	shalt  }
0x41: {  	_ =	shalt  }
0x42: {  	_ =	shalt  }
0x43: {  	_ =	shalt  }
0x44: {  	_ =	shalt  }
0x45: {  	_ =	shalt  }
0x46: {  	_ =	shalt  }
0x47: {  	_ =	shalt  }
0x48: {  	_ =	shalt  }
0x49: {  	_ =	shalt  }
0x4a: {  	_ =	shalt  }
0x4b: {  	_ =	shalt  }
0x4c: {  	_ =	shalt  }
0x4d: {  	_ =	shalt  }
0x4e: {  	_ =	shalt  }
0x4f: {  	_ =	shalt  }
0x50: {  	_ =	shalt  }
0x51: {  	_ =	shalt  }
0x52: {  	_ =	shalt  }
0x53: {  	_ =	shalt  }
0x54: {  	_ =	shalt  }
0x55: {  	_ =	shalt  }
0x56: {  	_ =	shalt  }
0x57: {  	_ =	shalt  }
0x58: {  	_ =	shalt  }
0x59: {  	_ =	shalt  }
0x5a: {  	_ =	shalt  }
0x5b: {  	_ =	shalt  }
0x5c: {  	_ =	shalt  }
0x5d: {  	_ =	shalt  }
0x5e: {  	_ =	shalt  }
0x5f: {  	_ =	shalt  }
0x60: {  	_ =	shalt  }
0x61: {  	_ =	shalt  }
0x62: {  	_ =	shalt  }
0x63: {  	_ =	shalt  }
0x64: {  	_ =	shalt  }
0x65: {  	_ =	shalt  }
0x66: {  	_ =	shalt  }
0x67: {  	_ =	shalt  }
0x68: {  	_ =	shalt  }
0x69: {  	_ =	shalt  }
0x6a: {  	_ =	shalt  }
0x6b: {  	_ =	shalt  }
0x6c: {  	_ =	shalt  }
0x6d: {  	_ =	shalt  }
0x6e: {  	_ =	shalt  }
0x6f: {  	_ =	shalt  }
0x70: {  	_ =	shalt  }
0x71: {  	_ =	shalt  }
0x72: {  	_ =	shalt  }
0x73: {  	_ =	shalt  }
0x74: {  	_ =	shalt  }
0x75: {  	_ =	shalt  }
0x76: {  	_ =	shalt  }
0x77: {  	_ =	shalt  }
0x78: {  	_ =	shalt  }
0x79: {  	_ =	shalt  }
0x7a: {  	_ =	shalt  }
0x7b: {  	_ =	shalt  }
0x7c: {  	_ =	shalt  }
0x7d: {  	_ =	shalt  }
0x7e: {  	_ =	shalt  }
0x7f: {  	_ =	shalt  }
0x80: {  	_ =	shalt  }
0x81: {  	_ =	shalt  }
0x82: {  	_ =	shalt  }
0x83: {  	_ =	shalt  }
0x84: {  	_ =	shalt  }
0x85: {  	_ =	shalt  }
0x86: {  	_ =	shalt  }
0x87: {  	_ =	shalt  }
.Lfunc_end0:
.L_simem_size_0:
called_computation.1_lowered:
.L_overlay_start_0:
0x88: {  	s2 =	sld [smem:$0x3FD9]  }
0x89: {  	s3 =	sld [smem:$0x3FFE];
	_ =	sdelay $0x1  }
0x8a: {  	s1 =	srdreg.scid  }
0x8b: {  	s0 =	sand.u32 $0x1, s1  }
0x8c: {  	s16 =	sshll.u32 s0, $0xA;
	s2 =	sadd.s32 s3, s2  }
0x8d: {  	s2 =	sadd.s32 s2, s16  }
0x8e: {  	[smem:$0x3FBD] =	sst s2  }
0x8f: {  	_ = 	snop  }
0x90: {  	(tm) =	ssettm $0x1  }
0x91: {  	s17 =	sld [smem:$0x3FFB];
	_ =	sdelay $0x3  }
0x92: {  	_ =	strace s17  }
0x93: {  	s2 =	sld [smem:$0x3FFC];
	_ =	sdelay $0x3  }
0x94: {  	_ =	strace s2  }
0x95: {  	s2 =	sld [smem:$0x3FFD];
	_ =	sdelay $0x3  }
0x96: {  	_ =	strace s2  }
0x97: {  	_ =	strace $0x8FFFFFFF  }
0x98: {  	s18 =	sld [smem:$0x3FDB];
	_ =	sdelay $0x1  }
0x99: {  	s19 =	simm.s32 $_scs_section_size  }
0x9a: {  	s4 =	simm.s32 $_size__tile_overlayer_lowered;
	s5 =	simm.s32 $_tile_overlayer_lowered  }
0x9b: {  	s22 =	simm.s32 $0x1BFF;
	s21 =	sshll.u32 s5, $0x1;
	s2 =	sadd.s32 s19, s18  }
0x9c: {  	s6 =	simm.s32 $0x0;
	s20 =	sshll.u32 s4, $0x1;
	s4 =	sadd.s32 s21, s2  }
0x9d: {  	[timem:s6], [sflag:s22] =	dma.local [hbm:s4], s20  }
0x9e: {  	_ =	swait.ge [sflag:s22], s20  }
0x9f: {  	s3 =	ssub.s32 $0x0, s20;
	[sflag:s22] =	ssyncset.done $0x0  }
0xa0: {  	[sflag:s22] =	ssyncadd.s32 s3;
	_ =	sdelay $0x1  }
0xa1: {  	s23 =	simm.s32 $0x1B8B  }
0xa2: {  	_ =	swait.ge [sflag:s23], $0x1  }
0xa3: {  	[sflag:s23] =	ssyncset.done $0x0  }
0xa4: {  	s25 =	simm.s32 $0x1B8E;
	s24 =	sld [smem:$0x3FFE];
	[sflag:s23] =	ssyncadd.s32 $0xFFFFFFFF  }
0xa5: {  	s26 =	simm.s32 $execute0_lowered;
	[smem:$0x3FD2] =	sst s25  }
0xa6: {  	s4 =	sshll.u32 s26, $0x1;
	_ =	strace $0x80000049;
	[dreg:$0x1] =	wrdreg $0xFFFFFFFF  }
0xa7: {  	s28 =	simm.s32 $_size_execute0_lowered;
	s2 =	sadd.s32 s2, s4;
	[dreg:$0x0] =	wrdreg $0x0  }
0xa8: {  	s4 =	sshll.u32 s28, $0x1;
	[dreg:$0x2] =	wrdreg s2  }
0xa9: {  	[dreg:$0x3] =	wrdreg s4  }
0xaa: {  	[dreg:$0x4] =	wrdreg $0xC0  }
0xab: {  	_ =	task [dreg:s6], $0x5FFFF  }
0xac: {  	[dreg:$0x1] =	wrdreg $0xFFFFFFFF  }
0xad: {  	[dreg:$0x0] =	wrdreg $0x60  }
0xae: {  	[dreg:$0x2] =	wrdreg s24  }
0xaf: {  	[dreg:$0x3] =	wrdreg $0xA8000  }
0xb0: {  	[dreg:$0x4] =	wrdreg $0x9  }
0xb1: {  	_ =	task.clear_ibuf [dreg:s6], $0x5FFFF;
	_ =	strace $0x90000049  }
0xb2: {  	s29 =	simm.s32 $0x9;
	_ =	strace $0x8000004B  }
0xb3: {  	_ =	swait.ge [sflag:s29], $0x1  }
0xb4: {  	[sflag:s29] =	ssyncadd.s32 $0xFFFFFFFF  }
0xb5: {  	_ =	strace $0x9000004B  }
0xb6: {  	_ =	sfence  }
0xb7: {  	s30 =	sld [smem:$0x0];
	_ =	sdelay $0x2  }
0xb8: {  	s31 =	sshll.u32 s1, $0xD;
	s1 =	sshrl.u32 s1, $0x2  }
0xb9: {  	s3 =	sand.u32 $0x4000, s31;
	s1 =	sadd.s32 s1, s30  }
0xba: {  	s0 =	sor.u32 s3, s0;
	s1 =	sshll.u32 s1, $0x11  }
0xbb: {  	s0 =	sor.u32 s1, s0  }
0xbc: {  	s0 =	sadd.s32 $0x8F2B, s0  }
0xbd: {  	[sflag:s0] =	ssyncadd.remote.s32 $0x1  }
0xbe: {  	_ =	sfence.sel $0xFFFF  }
0xbf: {  	[dreg:$0x0] =	wrdreg $0xFFFFFFFF;
	(pc) =	sbr.abs _section_cstart, $3  }
0xc0: {  	[dreg:$0x1] =	wrdreg $0xFFFFFFFF  }
0xc1: {  	_ =	task.clear_ibuf [dreg:s6], $0x2FFFF;
	_ =	strace $0x9FFFFFFF  }
0xc2: {  	(tm) =	ssettm $0x7FFFFFFF  }
0xc3: {  	_ =	shalt  }
tec
execute0_lowered:
.L_overlay_start_1:
0x0: {  	(tag) =	ssettag $0x1  }
0x1: {  	s5 =	rddreg [dreg:$0x0]  }
0x2: {  	s2 =	rddreg [dreg:$0x1];
	s3 =	simm.s32 $0x0  }
0x3: {  	s1 =	stileid.u32;
	s4 =	srdreg.scid;
	s16 =	simm.s32 $0x1400  }
0x4: {  	s17 =	simm.s32 $0x80;
	s18 =	simm.s32 $0x2800;
	s19 =	simm.s32 $0x3  }
0x5: {  	s20 =	simm.s32 $0x6800;
	s21 =	simm.s32 $0x1;
	s22 =	simm.s32 $0x2  }
0x6: {  	s23 =	simm.s32 $0x1380;
	s24 =	simm.s32 $0x2700;
	s25 =	simm.s32 $0x2780  }
0x7: {  	s26 =	simm.s32 $0x0;
	[smem:$0x7FF] =	sst s3;
	s6 =	smul.u32 $0x14000, s1  }
0x8: {  	s7 =	sand.u32 $0x1, s4;
	s4 =	sadd.s32 $0x16A00, s5;
	s10 =	sadd.s32 $0x2A00, s5  }
0x9: {  	s11 =	sadd.s32 $0xCA00, s5;
	s30 =	smul.u32 $0x50000, s1;
	_ =	strace $0x8000004A  }
0xa: {  	s9 =	smul.u32 $0x140000, s7;
	s12 =	sshll.u32 s7, $0x4;
	s7 =	ssub.s32 $0x2, s7  }
0xb: {  	s8 =	sshrl.u32 s6, $0x3;
	s12 =	sor.u32 s1, s12;
	s13 =	sshrl.u32 s7, $0x1  }
0xc: {  	s8 =	sadd.s32 s8, s5;
	s6 =	sadd.s32 s6, s9;
	s9 =	sshrl.u32 s30, $0x2  }
0xd: {  	s12 =	smul.u32 $0x2800, s12;
	s13 =	ssub.s32 s7, s13;
	s6 =	sshrl.u32 s6, $0x3  }
0xe: {  	s15 =	sadd.s32 s9, s2;
	s13 =	smax.u32 s13, $0x1;
	s14 =	sadd.s32 s6, s5  }
0xf: {  	s5 =	sadd.s32 $0x3EA00, s8;
	s6 =	sshll.u32 s1, $0x6;
	s31 =	sshrl.u32 s12, $0x3  }
0x10: {  	s7 =	sor.u32 $0x1C03, s6;
	s8 =	sadd.s32 s10, s31;
	s12 =	sadd.s32 $0x280, s31  }
0x11: {  	s9 =	sadd.s32 s11, s31;
	s10 =	sadd.s32 s10, s12;
	s11 =	sadd.s32 s11, s12  }
0x12: {  	s12 =	sadd.s32 $0x66A00, s14;
	s14 =	sshrl.u32 s15, $0x3;
	s15 =	simm.s32 $0x4  }
.LBB2_1:
0x13: {  	[spmem:s14], [sflag:s7] =	dma.local [hbm:s5], $0x2800  }
0x14: {  	[tilespmem:s3], [sflag:$0x4] =	stream.linear.gather [hbm4b:s8+s3], $0x1400, $0x38;
	[tilespmem:$0x1E800] =	vst v63  }
0x15: {  	_ =	swait.ge [sflag:s15], $0x1400  }
0x16: {  	[sflag:s15] =	ssyncset.done $0x0  }
0x17: {  	[sflag:s15] =	ssyncadd.s32 $0xFFFFEC00  }
0x18: {  	[tilespmem:s16], [sflag:$0x4] =	stream.linear.gather [hbm4b:s9+s3], $0x1400, $0x38;
	[tilespmem:$0x1E800] =	vst v63  }
0x19: {  	_ =	swait.ge [sflag:s15], $0x1400  }
0x1a: {  	[sflag:s15] =	ssyncset.done $0x0  }
0x1b: {  	[sflag:s15] =	ssyncadd.s32 $0xFFFFEC00  }
0x1c: {  	[tilespmem:s18], [sflag:$0x1] =	stream.indirect.gather [hbm4b:s4+s17], $0x80, s3, s17, $0xb8;
	[tilespmem:$0x1E800] =	vst v63  }
0x1d: {  	_ =	swait.ge [sflag:s19], $0x2800  }
0x1e: {  	[sflag:s19] =	ssyncset.done $0x0  }
0x1f: {  	[sflag:s19] =	ssyncadd.s32 $0xFFFFD800  }
0x20: {  	s28 =	simm.s32 $0x80;
	[bflag:$0x0] =	sbarrier.arrive $0xFFFF  }
0x21: {  	[tilespmem:s20], [sflag:$0x2] =	stream.indirect.gather [hbm4b:s4+s17], $0x80, s28, s17, $0xb8;
	[tilespmem:$0x1E800] =	vst v63  }
0x22: {  	_ =	swait.ge [sflag:s21], $0x4000  }
0x23: {  	[sflag:s21] =	ssyncset.done $0x0  }
0x24: {  	s28 =	simm.s32 $0x1400;
	[sflag:s21] =	ssyncadd.s32 $0xFFFFC000  }
0x25: {  	[spmem:s2] =	stream.indirect.scatter.add.f32 [tilespmem:s18], [sflag:$0x4], $0x80, s28, s17, $0xb8;
	[tilespmem:$0x1E800] =	vst v63  }
0x26: {  	_ =	swait.ge [sflag:s15], $0x4000  }
0x27: {  	[sflag:s15] =	ssyncset.done $0x0  }
0x28: {  	s28 =	simm.s32 $0x100;
	[sflag:s15] =	ssyncadd.s32 $0xFFFFC000  }
0x29: {  	[tilespmem:s18], [sflag:$0x1] =	stream.indirect.gather [hbm4b:s4+s17], $0x80, s28, s17, $0xb8;
	[tilespmem:$0x1E800] =	vst v63  }
0x2a: {  	_ =	swait.ge [sflag:s22], $0x4000  }
0x2b: {  	[sflag:s22] =	ssyncset.done $0x0  }
0x2c: {  	s28 =	simm.s32 $0x1480;
	[sflag:s22] =	ssyncadd.s32 $0xFFFFC000  }
0x2d: {  	[spmem:s2] =	stream.indirect.scatter.add.f32 [tilespmem:s20], [sflag:$0x4], $0x80, s28, s17, $0xb8;
	[tilespmem:$0x1E800] =	vst v63  }
0x2e: {  	_ =	swait.ge [sflag:s15], $0x4000  }
0x2f: {  	s29 =	simm.s32 $0x800;
	s28 =	simm.s32 $0x100;
	[sflag:s15] =	ssyncset.done $0x0  }
.LBB2_2:
0x30: {  	s30 =	sadd.s32 $0x80, s28  }
0x31: {  	[sflag:s15] =	ssyncadd.s32 $0xFFFFC000;
	s31 =	smov.u32 s29;
	s0 =	sadd.s32 $0x400, s29  }
0x32: {  	[tilespmem:s20], [sflag:$0x2] =	stream.indirect.gather [hbm4b:s4+s17], $0x80, s30, s17, $0xb8;
	[tilespmem:$0x1E800] =	vst v63  }
0x33: {  	p0 =	sne.s32 s29, $0x4800;
	_ =	swait.ge [sflag:s21], $0x4000  }
0x34: {  	[sflag:s21] =	ssyncset.done $0x0  }
0x35: {  	s29 =	sadd.s32 $0x1400, s28;
	[sflag:s21] =	ssyncadd.s32 $0xFFFFC000  }
0x36: {  	[spmem:s2] =	stream.indirect.scatter.add.f32 [tilespmem:s18], [sflag:$0x4], $0x80, s29, s17, $0xb8;
	[tilespmem:$0x1E800] =	vst v63  }
0x37: {  	_ =	swait.ge [sflag:s15], $0x4000  }
0x38: {  	[sflag:s15] =	ssyncset.done $0x0  }
0x39: {  	s29 =	sadd.s32 $0x100, s28;
	[sflag:s15] =	ssyncadd.s32 $0xFFFFC000  }
0x3a: {  	[tilespmem:s18], [sflag:$0x1] =	stream.indirect.gather [hbm4b:s4+s17], $0x80, s29, s17, $0xb8;
	[tilespmem:$0x1E800] =	vst v63  }
0x3b: {  	_ =	swait.ge [sflag:s22], $0x4000  }
.Ltmp0:
0x3c: {  	[sflag:s22] =	ssyncset.done $0x0;
	(pc) =	sbr.rel @p0 .LBB2_2-.Ltmp0, $4  }
0x3d: {  	s28 =	sadd.s32 $0x1480, s28;
	[sflag:s22] =	ssyncadd.s32 $0xFFFFC000  }
0x3e: {  	[spmem:s2] =	stream.indirect.scatter.add.f32 [tilespmem:s20], [sflag:$0x4], $0x80, s28, s17, $0xb8;
	[tilespmem:$0x1E800] =	vst v63  }
0x3f: {  	_ =	swait.ge [sflag:s15], $0x4000  }
0x40: {  	s29 =	smov.u32 s0;
	s28 =	sshra.s32 s31, $0x2;
	[sflag:s15] =	ssyncset.done $0x0  }
0x41: {  	s0 =	sadd.s32 $0x80, s28;
	[sflag:s15] =	ssyncadd.s32 $0xFFFFC000  }
0x42: {  	[tilespmem:s20], [sflag:$0x2] =	stream.indirect.gather [hbm4b:s4+s17], $0x80, s0, s17, $0xb8;
	[tilespmem:$0x1E800] =	vst v63  }
0x43: {  	_ =	swait.ge [sflag:s21], $0x4000  }
0x44: {  	[sflag:s21] =	ssyncset.done $0x0  }
0x45: {  	s30 =	sadd.s32 $0x1400, s28;
	[sflag:s21] =	ssyncadd.s32 $0xFFFFC000  }
0x46: {  	[spmem:s2] =	stream.indirect.scatter.add.f32 [tilespmem:s18], [sflag:$0x4], $0x80, s30, s17, $0xb8;
	[tilespmem:$0x1E800] =	vst v63  }
0x47: {  	_ =	swait.ge [sflag:s15], $0x4000  }
0x48: {  	[sflag:s15] =	ssyncset.done $0x0  }
0x49: {  	s31 =	sadd.s32 $0x100, s28;
	[sflag:s15] =	ssyncadd.s32 $0xFFFFC000  }
0x4a: {  	[tilespmem:s18], [sflag:$0x1] =	stream.indirect.gather [hbm4b:s4+s17], $0x80, s31, s17, $0xb8;
	[tilespmem:$0x1E800] =	vst v63  }
0x4b: {  	_ =	swait.ge [sflag:s22], $0x4000  }
0x4c: {  	[sflag:s22] =	ssyncset.done $0x0  }
0x4d: {  	s30 =	sadd.s32 $0x1480, s28;
	[sflag:s22] =	ssyncadd.s32 $0xFFFFC000  }
0x4e: {  	[spmem:s2] =	stream.indirect.scatter.add.f32 [tilespmem:s20], [sflag:$0x4], $0x80, s30, s17, $0xb8;
	[tilespmem:$0x1E800] =	vst v63  }
0x4f: {  	_ =	swait.ge [sflag:s15], $0x4000  }
0x50: {  	[sflag:s15] =	ssyncset.done $0x0  }
0x51: {  	[sflag:s15] =	ssyncadd.s32 $0xFFFFC000  }
0x52: {  	[tilespmem:s20], [sflag:$0x2] =	stream.indirect.gather [hbm4b:s4+s17], $0x80, s23, s17, $0xb8;
	[tilespmem:$0x1E800] =	vst v63  }
0x53: {  	_ =	swait.ge [sflag:s21], $0x4000  }
0x54: {  	[sflag:s21] =	ssyncset.done $0x0  }
0x55: {  	[sflag:s21] =	ssyncadd.s32 $0xFFFFC000  }
0x56: {  	[spmem:s2] =	stream.indirect.scatter.add.f32 [tilespmem:s18], [sflag:$0x4], $0x80, s24, s17, $0xb8;
	[tilespmem:$0x1E800] =	vst v63  }
0x57: {  	_ =	swait.ge [sflag:s15], $0x4000  }
0x58: {  	[sflag:s15] =	ssyncset.done $0x0  }
0x59: {  	[sflag:s15] =	ssyncadd.s32 $0xFFFFC000  }
0x5a: {  	_ =	swait.ge [sflag:s22], $0x4000  }
0x5b: {  	[sflag:s22] =	ssyncset.done $0x0  }
0x5c: {  	[sflag:s22] =	ssyncadd.s32 $0xFFFFC000  }
0x5d: {  	[spmem:s2] =	stream.indirect.scatter.add.f32 [tilespmem:s20], [sflag:$0x4], $0x80, s25, s17, $0xb8;
	[tilespmem:$0x1E800] =	vst v63  }
0x5e: {  	_ =	swait.ge [sflag:s15], $0x4000  }
0x5f: {  	[sflag:s15] =	ssyncset.done $0x0  }
0x60: {  	s31 =	simm.s32 $0x0;
	[sflag:s15] =	ssyncadd.s32 $0xFFFFC000  }
0x61: {  	[tilespmem:s31], [sflag:$0x4] =	stream.linear.gather [hbm4b:s10+s31], $0x1400, $0x38;
	[tilespmem:$0x1E800] =	vst v63  }
0x62: {  	_ =	swait.ge [sflag:s15], $0x1400  }
0x63: {  	[sflag:s15] =	ssyncset.done $0x0  }
0x64: {  	[sflag:s15] =	ssyncadd.s32 $0xFFFFEC00  }
0x65: {  	[tilespmem:s16], [sflag:$0x4] =	stream.linear.gather [hbm4b:s11+s31], $0x1400, $0x38;
	[tilespmem:$0x1E800] =	vst v63  }
0x66: {  	_ =	swait.ge [sflag:s15], $0x1400  }
0x67: {  	[sflag:s15] =	ssyncset.done $0x0  }
0x68: {  	[sflag:s15] =	ssyncadd.s32 $0xFFFFEC00  }
0x69: {  	[tilespmem:s18], [sflag:$0x1] =	stream.indirect.gather [hbm4b:s4+s17], $0x80, s31, s17, $0xb8;
	[tilespmem:$0x1E800] =	vst v63  }
0x6a: {  	s30 =	simm.s32 $0x80  }
0x6b: {  	[tilespmem:s20], [sflag:$0x2] =	stream.indirect.gather [hbm4b:s4+s17], $0x80, s30, s17, $0xb8;
	[tilespmem:$0x1E800] =	vst v63  }
0x6c: {  	_ =	swait.ge [sflag:s21], $0x4000  }
0x6d: {  	[sflag:s21] =	ssyncset.done $0x0  }
0x6e: {  	s31 =	simm.s32 $0x1400;
	[sflag:s21] =	ssyncadd.s32 $0xFFFFC000  }
0x6f: {  	[spmem:s2] =	stream.indirect.scatter.add.f32 [tilespmem:s18], [sflag:$0x4], $0x80, s31, s17, $0xb8;
	[tilespmem:$0x1E800] =	vst v63  }
0x70: {  	_ =	swait.ge [sflag:s15], $0x4000  }
0x71: {  	[sflag:s15] =	ssyncset.done $0x0  }
0x72: {  	s30 =	simm.s32 $0x100;
	[sflag:s15] =	ssyncadd.s32 $0xFFFFC000  }
0x73: {  	[tilespmem:s18], [sflag:$0x1] =	stream.indirect.gather [hbm4b:s4+s17], $0x80, s30, s17, $0xb8;
	[tilespmem:$0x1E800] =	vst v63  }
0x74: {  	_ =	swait.ge [sflag:s22], $0x4000  }
0x75: {  	[sflag:s22] =	ssyncset.done $0x0  }
0x76: {  	s31 =	simm.s32 $0x1480;
	[sflag:s22] =	ssyncadd.s32 $0xFFFFC000  }
0x77: {  	[spmem:s2] =	stream.indirect.scatter.add.f32 [tilespmem:s20], [sflag:$0x4], $0x80, s31, s17, $0xb8;
	[tilespmem:$0x1E800] =	vst v63  }
0x78: {  	_ =	swait.ge [sflag:s15], $0x4000  }
0x79: {  	s29 =	simm.s32 $0x800;
	s28 =	simm.s32 $0x100;
	[sflag:s15] =	ssyncset.done $0x0  }
.LBB2_4:
0x7a: {  	s0 =	sadd.s32 $0x80, s28  }
0x7b: {  	[sflag:s15] =	ssyncadd.s32 $0xFFFFC000;
	s30 =	smov.u32 s29;
	s31 =	sadd.s32 $0x400, s29  }
0x7c: {  	[tilespmem:s20], [sflag:$0x2] =	stream.indirect.gather [hbm4b:s4+s17], $0x80, s0, s17, $0xb8;
	[tilespmem:$0x1E800] =	vst v63  }
0x7d: {  	p0 =	sne.s32 s29, $0x4800;
	_ =	swait.ge [sflag:s21], $0x4000  }
0x7e: {  	[sflag:s21] =	ssyncset.done $0x0  }
0x7f: {  	s0 =	sadd.s32 $0x1400, s28;
	[sflag:s21] =	ssyncadd.s32 $0xFFFFC000  }
0x80: {  	[spmem:s2] =	stream.indirect.scatter.add.f32 [tilespmem:s18], [sflag:$0x4], $0x80, s0, s17, $0xb8;
	[tilespmem:$0x1E800] =	vst v63  }
0x81: {  	_ =	swait.ge [sflag:s15], $0x4000  }
0x82: {  	[sflag:s15] =	ssyncset.done $0x0  }
0x83: {  	s0 =	sadd.s32 $0x100, s28;
	[sflag:s15] =	ssyncadd.s32 $0xFFFFC000  }
0x84: {  	[tilespmem:s18], [sflag:$0x1] =	stream.indirect.gather [hbm4b:s4+s17], $0x80, s0, s17, $0xb8;
	[tilespmem:$0x1E800] =	vst v63  }
0x85: {  	_ =	swait.ge [sflag:s22], $0x4000  }
.Ltmp1:
0x86: {  	[sflag:s22] =	ssyncset.done $0x0;
	(pc) =	sbr.rel @p0 .LBB2_4-.Ltmp1, $4  }
0x87: {  	s0 =	sadd.s32 $0x1480, s28;
	[sflag:s22] =	ssyncadd.s32 $0xFFFFC000  }
0x88: {  	[spmem:s2] =	stream.indirect.scatter.add.f32 [tilespmem:s20], [sflag:$0x4], $0x80, s0, s17, $0xb8;
	[tilespmem:$0x1E800] =	vst v63  }
0x89: {  	_ =	swait.ge [sflag:s15], $0x4000  }
0x8a: {  	s29 =	smov.u32 s31;
	s28 =	sshra.s32 s30, $0x2;
	[sflag:s15] =	ssyncset.done $0x0  }
0x8b: {  	s0 =	sadd.s32 $0x80, s28;
	[sflag:s15] =	ssyncadd.s32 $0xFFFFC000  }
0x8c: {  	[tilespmem:s20], [sflag:$0x2] =	stream.indirect.gather [hbm4b:s4+s17], $0x80, s0, s17, $0xb8;
	[tilespmem:$0x1E800] =	vst v63  }
0x8d: {  	_ =	swait.ge [sflag:s21], $0x4000  }
0x8e: {  	[sflag:s21] =	ssyncset.done $0x0  }
0x8f: {  	s31 =	sadd.s32 $0x1400, s28;
	[sflag:s21] =	ssyncadd.s32 $0xFFFFC000  }
0x90: {  	[spmem:s2] =	stream.indirect.scatter.add.f32 [tilespmem:s18], [sflag:$0x4], $0x80, s31, s17, $0xb8;
	[tilespmem:$0x1E800] =	vst v63  }
0x91: {  	_ =	swait.ge [sflag:s15], $0x4000  }
0x92: {  	[sflag:s15] =	ssyncset.done $0x0  }
0x93: {  	s29 =	sadd.s32 $0x100, s28;
	[sflag:s15] =	ssyncadd.s32 $0xFFFFC000  }
0x94: {  	[tilespmem:s18], [sflag:$0x1] =	stream.indirect.gather [hbm4b:s4+s17], $0x80, s29, s17, $0xb8;
	[tilespmem:$0x1E800] =	vst v63  }
0x95: {  	_ =	swait.ge [sflag:s22], $0x4000  }
0x96: {  	[sflag:s22] =	ssyncset.done $0x0  }
0x97: {  	s30 =	sadd.s32 $0x1480, s28;
	[sflag:s22] =	ssyncadd.s32 $0xFFFFC000  }
0x98: {  	[spmem:s2] =	stream.indirect.scatter.add.f32 [tilespmem:s20], [sflag:$0x4], $0x80, s30, s17, $0xb8;
	[tilespmem:$0x1E800] =	vst v63  }
0x99: {  	_ =	swait.ge [sflag:s15], $0x4000  }
0x9a: {  	[sflag:s15] =	ssyncset.done $0x0  }
0x9b: {  	[sflag:s15] =	ssyncadd.s32 $0xFFFFC000  }
0x9c: {  	[tilespmem:s20], [sflag:$0x2] =	stream.indirect.gather [hbm4b:s4+s17], $0x80, s23, s17, $0xb8;
	[tilespmem:$0x1E800] =	vst v63  }
0x9d: {  	_ =	swait.ge [sflag:s21], $0x4000  }
0x9e: {  	[sflag:s21] =	ssyncset.done $0x0  }
0x9f: {  	[sflag:s21] =	ssyncadd.s32 $0xFFFFC000  }
0xa0: {  	[spmem:s2] =	stream.indirect.scatter.add.f32 [tilespmem:s18], [sflag:$0x4], $0x80, s24, s17, $0xb8;
	[tilespmem:$0x1E800] =	vst v63  }
0xa1: {  	_ =	swait.ge [sflag:s15], $0x4000  }
0xa2: {  	[sflag:s15] =	ssyncset.done $0x0  }
0xa3: {  	[sflag:s15] =	ssyncadd.s32 $0xFFFFC000  }
0xa4: {  	_ =	swait.ge [sflag:s22], $0x4000  }
0xa5: {  	[sflag:s22] =	ssyncset.done $0x0  }
0xa6: {  	[sflag:s22] =	ssyncadd.s32 $0xFFFFC000  }
0xa7: {  	[spmem:s2] =	stream.indirect.scatter.add.f32 [tilespmem:s20], [sflag:$0x4], $0x80, s25, s17, $0xb8;
	[tilespmem:$0x1E800] =	vst v63  }
0xa8: {  	_ =	swait.ge [sflag:s15], $0x4000  }
0xa9: {  	s26 =	sadd.s32 $0x1, s26;
	[sflag:s15] =	ssyncset.done $0x0  }
0xaa: {  	p0 =	sne.s32 s26, s13;
	[sflag:s15] =	ssyncadd.s32 $0xFFFFC000  }
.Ltmp2:
0xab: {  	s31 =	sor.u32 $0x1C04, s6;
	[bflag:$0x0] =	sbarrier.arrive $0xFFFF;
	(pc) =	sbr.rel @p0 .LBB2_1-.Ltmp2, $4  }
0xac: {  	[hbm:s12], [sflag:s31] =	dma.local [spmem:s14], $0x2800  }
0xad: {  	_ =	swait.ge [sflag:s15], $0x2800  }
0xae: {  	[sflag:s15] =	ssyncset.done $0x0  }
0xaf: {  	[sflag:s15] =	ssyncadd.s32 $0xFFFFD800  }
0xb0: {  	_ =	sfence.sel $0x180000  }
0xb1: {  	[bflag:$0x0] =	sbarrier.arrive $0xFFFF  }
0xb2: {  	_ =	strace $0x9000004A  }
0xb3: {  	[bflag:$0x2] =	sbarrier.arrive $0xFFFF  }
0xb4: {  	p0 =	sne.s32 s1, $0x0;
	s0 =	rddreg [dreg:$0x2]  }
0xb5: {  	s0 =	sadd.s32 @!p0 $0x100000, s0  }
0xb6: {  	[sflag:s0] =	ssyncadd.tile.s32 @!p0 $0x1;
	_ =	shalt  }
.Lfunc_end2:
_tile_overlayer_lowered:
.L_overlay_start_2:
0xb7: {  	(tag) =	ssettag $0x2  }
0xb8: {  	s0 =	rddreg [dreg:$0x0];
	s2 =	stileid.u32  }
0xb9: {  	s1 =	rddreg [dreg:$0x1];
	p0 =	sne.s32 s2, $0x0  }
0xba: {  	s3 =	rddreg [dreg:$0x2];
	[bflag:$0x3] =	sbarrier.arrive $0xFFFF;
	s2 =	simm.s32 @!p0 $0x1C04  }
0xbb: {  	[timem:s3], [sflag:s2] =	dma.local @!p0 [hbm:s0], s1  }
0xbc: {  	s0 =	simm.s32 @!p0 $0x4  }
0xbd: {  	_ =	swait.ge @!p0 [sflag:s0], s1  }
0xbe: {  	s1 =	ssub.s32 @!p0 $0x0, s1;
	[sflag:s0] =	ssyncset.done @!p0 $0x0  }
0xbf: {  	[sflag:s0] =	ssyncadd.s32 @!p0 s1  }
0xc0: {  	[bflag:$0x3] =	sbarrier.arrive $0xFFFF  }
0xc1: {  	_ =	shalt  }

// kernel: kernel.15.cloned.1.call-start
scs
__scs_entry_jumppad:
0x0: {  	(pc) =	sbr.rel $0x88, $3  }
0x1: {  	(tag) =	ssettag $0x0;
	lr =	simm.s32 $0x1  }
0x2: {  	[smem:$0x3F96] =	sst lr;
	_ =	strace $0xD0000000  }
0x3: {  	_ = 	snop  }
0x4: {  	_ = 	snop  }
0x5: {  	_ = 	snop  }
0x6: {  	_ = 	snop  }
0x7: {  	_ = 	snop  }
__scs_overlays_trampoline_lowered:
0x8: {  	[smem:$0x3FA5] =	sst s0  }
0x9: {  	[smem:$0x3FA6] =	sst s1  }
0xa: {  	[smem:$0x3FA7] =	sst s2  }
0xb: {  	[smem:$0x3FA8] =	sst s3  }
0xc: {  	[smem:$0x3FA9] =	sst s4  }
0xd: {  	[smem:$0x3FAA] =	sst s5  }
0xe: {  	[smem:$0x3FAB] =	sst s6  }
0xf: {  	[smem:$0x3FAC] =	sst s7  }
0x10: {  	[smem:$0x3FAD] =	sst s8  }
0x11: {  	[smem:$0x3FAE] =	sst s9;
	s0 =	simm.s32 @!p0 $0x0  }
0x12: {  	s1 =	sld [smem:$0x3F94];
	s0 =	simm.s32 @p0 $0x1  }
0x13: {  	[smem:$0x3FAF] =	sst s0;
	s0 =	simm.s32 @!p1 $0x0  }
0x14: {  	s2 =	sld [smem:$0x3F93];
	s0 =	simm.s32 @p1 $0x1  }
0x15: {  	[smem:$0x3FB0] =	sst s0;
	s0 =	simm.s32 @!p2 $0x0  }
0x16: {  	s3 =	sld [smem:$0x3FDB];
	s0 =	simm.s32 @p2 $0x1  }
0x17: {  	s4 =	simm.s32 $0x1BF5;
	[smem:$0x3FB2] =	sst s0  }
0x18: {  	s0 =	sld [smem:$0x3F95];
	_ =	swait.ge [sflag:s4], $0x0  }
0x19: {  	s7 =	sld [smem:$0x3F96]  }
0x1a: {  	s8 =	sadd.s32 $0xFFFFE003, lr  }
0x1b: {  	s9 =	sadd.s32 $0xFFFFFEF7, lr;
	s5 =	simm.s32 $0xFFFFFFFF;
	p2 =	slt.u32 s8, $0xFFFFF086  }
0x1c: {  	p1 =	slt.u32 s9, $0xF7A;
	s5 =	simm.s32 @!p2 $0x0  }
0x1d: {  	s5 =	simm.s32 @p1 $0x1;
	p0 =	seq.s32 s7, s2  }
0x1e: {  	s7 =	smul.u32 @!p0 $0xF7A, s2;
	p2 =	seq.s32 @!p0 s5, $0x0  }
0x1f: {  	s9 =	smul.u32 $0xF7A, s1;
	s8 =	simm.s32 @!p0 $0x1BF5;
	p2 =	por !p2, p0  }
0x20: {  	[sflag:s8] =	ssyncset.s32 @!p0 $0xFFFFF086;
	s6 =	sadd.s32 @!p0 s3, s7;
	s7 =	simm.s32 @!p0 $0x108  }
0x21: {  	s3 =	sadd.s32 s3, s9;
	s6 =	sadd.s32 @!p0 $0x88, s6;
	s7 =	simm.s32 @p2 $0x1082  }
0x22: {  	[simem:s7], [sflag:s8] =	dma.local @!p0 [hbm:s6], $0xF7A  }
0x23: {  	s9 =	sor.u32 $0xD0000000, s2;
	s6 =	simm.s32 $0x108;
	_ =	swait.ge @!p0 [sflag:s8], $0x0  }
0x24: {  	s3 =	sadd.s32 $0x88, s3;
	s6 =	simm.s32 @!p1 $0x1082;
	[sflag:s4] =	ssyncset.s32 $0xFFFFF086  }
0x25: {  	[simem:s6], [sflag:s4] =	dma.local [hbm:s3], $0xF7A  }
0x26: {  	[smem:$0x3F96] =	sst s1;
	(tag) =	ssettag s2;
	_ =	strace s9  }
0x27: {  	s1 =	sld [smem:$0x3FA6]  }
0x28: {  	s2 =	sld [smem:$0x3FA7]  }
0x29: {  	s4 =	sld [smem:$0x3FA9]  }
0x2a: {  	p0 =	seq.s32 s5, $0x0;
	s5 =	sld [smem:$0x3FAA]  }
0x2b: {  	s6 =	sld [smem:$0x3FAB]  }
0x2c: {  	s7 =	sld [smem:$0x3FAC]  }
0x2d: {  	s3 =	simm.s32 $0x108;
	s8 =	sld [smem:$0x3FAD]  }
0x2e: {  	s3 =	simm.s32 @!p0 $0x1082;
	s9 =	sld [smem:$0x3FAE]  }
0x2f: {  	lr =	sadd.s32 s0, s3;
	s0 =	sld [smem:$0x3FA5]  }
0x30: {  	s3 =	sld [smem:$0x3FA8]  }
0x31: {  	[smem:$0x3FB1] =	sst s10  }
0x32: {  	s10 =	sld [smem:$0x3FAF];
	_ =	sdelay $0x3  }
0x33: {  	p0 =	seq.s32 s10, $0x1;
	s10 =	sld [smem:$0x3FB1];
	_ =	sdelay $0x3  }
0x34: {  	[smem:$0x3FB1] =	sst s10  }
0x35: {  	s10 =	sld [smem:$0x3FB0];
	_ =	sdelay $0x3  }
0x36: {  	p1 =	seq.s32 s10, $0x1;
	s10 =	sld [smem:$0x3FB1];
	_ =	sdelay $0x3  }
0x37: {  	[smem:$0x3FB1] =	sst s10  }
0x38: {  	s10 =	sld [smem:$0x3FB2]  }
0x39: {  	_ = 	snop;
	(pc) =	sbr.ind lr, $3  }
0x3a: {  	_ = 	snop  }
0x3b: {  	_ = 	snop  }
0x3c: {  	p2 =	seq.s32 s10, $0x1;
	s10 =	sld [smem:$0x3FB1]  }
0x3d: {  	_ =	shalt  }
0x3e: {  	_ =	shalt  }
0x3f: {  	_ =	shalt  }
0x40: {  	_ =	shalt  }
0x41: {  	_ =	shalt  }
0x42: {  	_ =	shalt  }
0x43: {  	_ =	shalt  }
0x44: {  	_ =	shalt  }
0x45: {  	_ =	shalt  }
0x46: {  	_ =	shalt  }
0x47: {  	_ =	shalt  }
0x48: {  	_ =	shalt  }
0x49: {  	_ =	shalt  }
0x4a: {  	_ =	shalt  }
0x4b: {  	_ =	shalt  }
0x4c: {  	_ =	shalt  }
0x4d: {  	_ =	shalt  }
0x4e: {  	_ =	shalt  }
0x4f: {  	_ =	shalt  }
0x50: {  	_ =	shalt  }
0x51: {  	_ =	shalt  }
0x52: {  	_ =	shalt  }
0x53: {  	_ =	shalt  }
0x54: {  	_ =	shalt  }
0x55: {  	_ =	shalt  }
0x56: {  	_ =	shalt  }
0x57: {  	_ =	shalt  }
0x58: {  	_ =	shalt  }
0x59: {  	_ =	shalt  }
0x5a: {  	_ =	shalt  }
0x5b: {  	_ =	shalt  }
0x5c: {  	_ =	shalt  }
0x5d: {  	_ =	shalt  }
0x5e: {  	_ =	shalt  }
0x5f: {  	_ =	shalt  }
0x60: {  	_ =	shalt  }
0x61: {  	_ =	shalt  }
0x62: {  	_ =	shalt  }
0x63: {  	_ =	shalt  }
0x64: {  	_ =	shalt  }
0x65: {  	_ =	shalt  }
0x66: {  	_ =	shalt  }
0x67: {  	_ =	shalt  }
0x68: {  	_ =	shalt  }
0x69: {  	_ =	shalt  }
0x6a: {  	_ =	shalt  }
0x6b: {  	_ =	shalt  }
0x6c: {  	_ =	shalt  }
0x6d: {  	_ =	shalt  }
0x6e: {  	_ =	shalt  }
0x6f: {  	_ =	shalt  }
0x70: {  	_ =	shalt  }
0x71: {  	_ =	shalt  }
0x72: {  	_ =	shalt  }
0x73: {  	_ =	shalt  }
0x74: {  	_ =	shalt  }
0x75: {  	_ =	shalt  }
0x76: {  	_ =	shalt  }
0x77: {  	_ =	shalt  }
0x78: {  	_ =	shalt  }
0x79: {  	_ =	shalt  }
0x7a: {  	_ =	shalt  }
0x7b: {  	_ =	shalt  }
0x7c: {  	_ =	shalt  }
0x7d: {  	_ =	shalt  }
0x7e: {  	_ =	shalt  }
0x7f: {  	_ =	shalt  }
0x80: {  	_ =	shalt  }
0x81: {  	_ =	shalt  }
0x82: {  	_ =	shalt  }
0x83: {  	_ =	shalt  }
0x84: {  	_ =	shalt  }
0x85: {  	_ =	shalt  }
0x86: {  	_ =	shalt  }
0x87: {  	_ =	shalt  }
.Lfunc_end0:
.L_simem_size_0:
called_computation.2_lowered:
.L_overlay_start_0:
0x88: {  	s2 =	sld [smem:$0x3FD9]  }
0x89: {  	s3 =	sld [smem:$0x3FFE];
	_ =	sdelay $0x1  }
0x8a: {  	s1 =	srdreg.scid  }
0x8b: {  	s0 =	sand.u32 $0x1, s1  }
0x8c: {  	s16 =	sshll.u32 s0, $0xA;
	s2 =	sadd.s32 s3, s2  }
0x8d: {  	s2 =	sadd.s32 s2, s16  }
0x8e: {  	[smem:$0x3FBD] =	sst s2  }
0x8f: {  	_ = 	snop  }
0x90: {  	(tm) =	ssettm $0x1  }
0x91: {  	s17 =	sld [smem:$0x3FFB];
	_ =	sdelay $0x3  }
0x92: {  	_ =	strace s17  }
0x93: {  	s2 =	sld [smem:$0x3FFC];
	_ =	sdelay $0x3  }
0x94: {  	_ =	strace s2  }
0x95: {  	s2 =	sld [smem:$0x3FFD];
	_ =	sdelay $0x3  }
0x96: {  	_ =	strace s2  }
0x97: {  	_ =	strace $0x8FFFFFFF  }
0x98: {  	s18 =	sld [smem:$0x3FDB];
	_ =	sdelay $0x1  }
0x99: {  	s19 =	simm.s32 $_scs_section_size  }
0x9a: {  	s4 =	simm.s32 $_size__tile_overlayer_lowered;
	s5 =	simm.s32 $_tile_overlayer_lowered  }
0x9b: {  	s22 =	simm.s32 $0x1BFF;
	s21 =	sshll.u32 s5, $0x1;
	s2 =	sadd.s32 s19, s18  }
0x9c: {  	s6 =	simm.s32 $0x0;
	s20 =	sshll.u32 s4, $0x1;
	s4 =	sadd.s32 s21, s2  }
0x9d: {  	[timem:s6], [sflag:s22] =	dma.local [hbm:s4], s20  }
0x9e: {  	_ =	swait.ge [sflag:s22], s20  }
0x9f: {  	s3 =	ssub.s32 $0x0, s20;
	[sflag:s22] =	ssyncset.done $0x0  }
0xa0: {  	[sflag:s22] =	ssyncadd.s32 s3;
	_ =	sdelay $0x1  }
0xa1: {  	s23 =	simm.s32 $0x1B8B  }
0xa2: {  	_ =	swait.ge [sflag:s23], $0x1  }
0xa3: {  	[sflag:s23] =	ssyncset.done $0x0  }
0xa4: {  	s25 =	simm.s32 $0x1B8E;
	s24 =	sld [smem:$0x3FFE];
	[sflag:s23] =	ssyncadd.s32 $0xFFFFFFFF  }
0xa5: {  	s26 =	simm.s32 $execute0_lowered;
	[smem:$0x3FD2] =	sst s25  }
0xa6: {  	s4 =	sshll.u32 s26, $0x1;
	_ =	strace $0x8000004C;
	[dreg:$0x1] =	wrdreg $0xFFFFFFFF  }
0xa7: {  	s28 =	simm.s32 $_size_execute0_lowered;
	s2 =	sadd.s32 s2, s4;
	[dreg:$0x0] =	wrdreg $0x0  }
0xa8: {  	s4 =	sshll.u32 s28, $0x1;
	[dreg:$0x2] =	wrdreg s2  }
0xa9: {  	[dreg:$0x3] =	wrdreg s4  }
0xaa: {  	[dreg:$0x4] =	wrdreg $0xC0  }
0xab: {  	_ =	task [dreg:s6], $0x5FFFF  }
0xac: {  	[dreg:$0x1] =	wrdreg $0xFFFFFFFF  }
0xad: {  	[dreg:$0x0] =	wrdreg $0x60  }
0xae: {  	[dreg:$0x2] =	wrdreg s24  }
0xaf: {  	[dreg:$0x3] =	wrdreg $0xA8000  }
0xb0: {  	[dreg:$0x4] =	wrdreg $0x9  }
0xb1: {  	_ =	task.clear_ibuf [dreg:s6], $0x5FFFF;
	_ =	strace $0x9000004C  }
0xb2: {  	s29 =	simm.s32 $0x9;
	_ =	strace $0x8000004E  }
0xb3: {  	_ =	swait.ge [sflag:s29], $0x1  }
0xb4: {  	[sflag:s29] =	ssyncadd.s32 $0xFFFFFFFF  }
0xb5: {  	_ =	strace $0x9000004E  }
0xb6: {  	_ =	sfence  }
0xb7: {  	s30 =	sld [smem:$0x0];
	_ =	sdelay $0x2  }
0xb8: {  	s31 =	sshll.u32 s1, $0xD;
	s1 =	sshrl.u32 s1, $0x2  }
0xb9: {  	s3 =	sand.u32 $0x4000, s31;
	s1 =	sadd.s32 s1, s30  }
0xba: {  	s0 =	sor.u32 s3, s0;
	s1 =	sshll.u32 s1, $0x11  }
0xbb: {  	s0 =	sor.u32 s1, s0  }
0xbc: {  	s0 =	sadd.s32 $0x8F2B, s0  }
0xbd: {  	[sflag:s0] =	ssyncadd.remote.s32 $0x1  }
0xbe: {  	_ =	sfence.sel $0xFFFF  }
0xbf: {  	[dreg:$0x0] =	wrdreg $0xFFFFFFFF;
	(pc) =	sbr.abs _section_cstart, $3  }
0xc0: {  	[dreg:$0x1] =	wrdreg $0xFFFFFFFF  }
0xc1: {  	_ =	task.clear_ibuf [dreg:s6], $0x2FFFF;
	_ =	strace $0x9FFFFFFF  }
0xc2: {  	(tm) =	ssettm $0x7FFFFFFF  }
0xc3: {  	_ =	shalt  }
tec
execute0_lowered:
.L_overlay_start_1:
0x0: {  	(tag) =	ssettag $0x1  }
0x1: {  	s5 =	rddreg [dreg:$0x0]  }
0x2: {  	s2 =	rddreg [dreg:$0x1];
	s3 =	simm.s32 $0x0  }
0x3: {  	s1 =	stileid.u32;
	s4 =	srdreg.scid;
	s16 =	simm.s32 $0x1400  }
0x4: {  	s17 =	simm.s32 $0x80;
	s18 =	simm.s32 $0x2800;
	s19 =	simm.s32 $0x3  }
0x5: {  	s20 =	simm.s32 $0x6800;
	s21 =	simm.s32 $0x1;
	s22 =	simm.s32 $0x2  }
0x6: {  	s23 =	simm.s32 $0x1380;
	s24 =	simm.s32 $0x2700;
	s25 =	simm.s32 $0x2780  }
0x7: {  	s26 =	simm.s32 $0x0;
	[smem:$0x7FF] =	sst s3;
	s6 =	smul.u32 $0x14000, s1  }
0x8: {  	s7 =	sand.u32 $0x1, s4;
	s4 =	sadd.s32 $0x16A00, s5;
	s10 =	sadd.s32 $0x2A00, s5  }
0x9: {  	s11 =	sadd.s32 $0xCA00, s5;
	s30 =	smul.u32 $0x50000, s1;
	_ =	strace $0x8000004D  }
0xa: {  	s9 =	smul.u32 $0x140000, s7;
	s12 =	sshll.u32 s7, $0x4;
	s7 =	ssub.s32 $0x2, s7  }
0xb: {  	s8 =	sshrl.u32 s6, $0x3;
	s12 =	sor.u32 s1, s12;
	s13 =	sshrl.u32 s7, $0x1  }
0xc: {  	s8 =	sadd.s32 s8, s5;
	s6 =	sadd.s32 s6, s9;
	s9 =	sshrl.u32 s30, $0x2  }
0xd: {  	s12 =	smul.u32 $0x2800, s12;
	s13 =	ssub.s32 s7, s13;
	s6 =	sshrl.u32 s6, $0x3  }
0xe: {  	s15 =	sadd.s32 s9, s2;
	s13 =	smax.u32 s13, $0x1;
	s14 =	sadd.s32 s6, s5  }
0xf: {  	s5 =	sadd.s32 $0x3EA00, s8;
	s6 =	sshll.u32 s1, $0x6;
	s31 =	sshrl.u32 s12, $0x3  }
0x10: {  	s7 =	sor.u32 $0x1C03, s6;
	s8 =	sadd.s32 s10, s31;
	s12 =	sadd.s32 $0x280, s31  }
0x11: {  	s9 =	sadd.s32 s11, s31;
	s10 =	sadd.s32 s10, s12;
	s11 =	sadd.s32 s11, s12  }
0x12: {  	s12 =	sadd.s32 $0x66A00, s14;
	s14 =	sshrl.u32 s15, $0x3;
	s15 =	simm.s32 $0x4  }
.LBB2_1:
0x13: {  	[spmem:s14], [sflag:s7] =	dma.local [hbm:s5], $0x2800  }
0x14: {  	[tilespmem:s3], [sflag:$0x4] =	stream.linear.gather [hbm4b:s8+s3], $0x1400, $0x38;
	[tilespmem:$0x1E800] =	vst v63  }
0x15: {  	_ =	swait.ge [sflag:s15], $0x1400  }
0x16: {  	[sflag:s15] =	ssyncset.done $0x0  }
0x17: {  	[sflag:s15] =	ssyncadd.s32 $0xFFFFEC00  }
0x18: {  	[tilespmem:s16], [sflag:$0x4] =	stream.linear.gather [hbm4b:s9+s3], $0x1400, $0x38;
	[tilespmem:$0x1E800] =	vst v63  }
0x19: {  	_ =	swait.ge [sflag:s15], $0x1400  }
0x1a: {  	[sflag:s15] =	ssyncset.done $0x0  }
0x1b: {  	[sflag:s15] =	ssyncadd.s32 $0xFFFFEC00  }
0x1c: {  	[tilespmem:s18], [sflag:$0x1] =	stream.indirect.gather [hbm4b:s4+s17], $0x80, s3, s17, $0xb8;
	[tilespmem:$0x1E800] =	vst v63  }
0x1d: {  	_ =	swait.ge [sflag:s19], $0x2800  }
0x1e: {  	[sflag:s19] =	ssyncset.done $0x0  }
0x1f: {  	[sflag:s19] =	ssyncadd.s32 $0xFFFFD800  }
0x20: {  	s28 =	simm.s32 $0x80;
	[bflag:$0x0] =	sbarrier.arrive $0xFFFF  }
0x21: {  	[tilespmem:s20], [sflag:$0x2] =	stream.indirect.gather [hbm4b:s4+s17], $0x80, s28, s17, $0xb8;
	[tilespmem:$0x1E800] =	vst v63  }
0x22: {  	_ =	swait.ge [sflag:s21], $0x4000  }
0x23: {  	[sflag:s21] =	ssyncset.done $0x0  }
0x24: {  	s28 =	simm.s32 $0x1400;
	[sflag:s21] =	ssyncadd.s32 $0xFFFFC000  }
0x25: {  	[spmem:s2] =	stream.indirect.scatter.add.f32 [tilespmem:s18], [sflag:$0x4], $0x80, s28, s17, $0xb8;
	[tilespmem:$0x1E800] =	vst v63  }
0x26: {  	_ =	swait.ge [sflag:s15], $0x4000  }
0x27: {  	[sflag:s15] =	ssyncset.done $0x0  }
0x28: {  	s28 =	simm.s32 $0x100;
	[sflag:s15] =	ssyncadd.s32 $0xFFFFC000  }
0x29: {  	[tilespmem:s18], [sflag:$0x1] =	stream.indirect.gather [hbm4b:s4+s17], $0x80, s28, s17, $0xb8;
	[tilespmem:$0x1E800] =	vst v63  }
0x2a: {  	_ =	swait.ge [sflag:s22], $0x4000  }
0x2b: {  	[sflag:s22] =	ssyncset.done $0x0  }
0x2c: {  	s28 =	simm.s32 $0x1480;
	[sflag:s22] =	ssyncadd.s32 $0xFFFFC000  }
0x2d: {  	[spmem:s2] =	stream.indirect.scatter.add.f32 [tilespmem:s20], [sflag:$0x4], $0x80, s28, s17, $0xb8;
	[tilespmem:$0x1E800] =	vst v63  }
0x2e: {  	_ =	swait.ge [sflag:s15], $0x4000  }
0x2f: {  	s29 =	simm.s32 $0x800;
	s28 =	simm.s32 $0x100;
	[sflag:s15] =	ssyncset.done $0x0  }
.LBB2_2:
0x30: {  	s30 =	sadd.s32 $0x80, s28  }
0x31: {  	[sflag:s15] =	ssyncadd.s32 $0xFFFFC000;
	s31 =	smov.u32 s29;
	s0 =	sadd.s32 $0x400, s29  }
0x32: {  	[tilespmem:s20], [sflag:$0x2] =	stream.indirect.gather [hbm4b:s4+s17], $0x80, s30, s17, $0xb8;
	[tilespmem:$0x1E800] =	vst v63  }
0x33: {  	p0 =	sne.s32 s29, $0x4800;
	_ =	swait.ge [sflag:s21], $0x4000  }
0x34: {  	[sflag:s21] =	ssyncset.done $0x0  }
0x35: {  	s29 =	sadd.s32 $0x1400, s28;
	[sflag:s21] =	ssyncadd.s32 $0xFFFFC000  }
0x36: {  	[spmem:s2] =	stream.indirect.scatter.add.f32 [tilespmem:s18], [sflag:$0x4], $0x80, s29, s17, $0xb8;
	[tilespmem:$0x1E800] =	vst v63  }
0x37: {  	_ =	swait.ge [sflag:s15], $0x4000  }
0x38: {  	[sflag:s15] =	ssyncset.done $0x0  }
0x39: {  	s29 =	sadd.s32 $0x100, s28;
	[sflag:s15] =	ssyncadd.s32 $0xFFFFC000  }
0x3a: {  	[tilespmem:s18], [sflag:$0x1] =	stream.indirect.gather [hbm4b:s4+s17], $0x80, s29, s17, $0xb8;
	[tilespmem:$0x1E800] =	vst v63  }
0x3b: {  	_ =	swait.ge [sflag:s22], $0x4000  }
.Ltmp0:
0x3c: {  	[sflag:s22] =	ssyncset.done $0x0;
	(pc) =	sbr.rel @p0 .LBB2_2-.Ltmp0, $4  }
0x3d: {  	s28 =	sadd.s32 $0x1480, s28;
	[sflag:s22] =	ssyncadd.s32 $0xFFFFC000  }
0x3e: {  	[spmem:s2] =	stream.indirect.scatter.add.f32 [tilespmem:s20], [sflag:$0x4], $0x80, s28, s17, $0xb8;
	[tilespmem:$0x1E800] =	vst v63  }
0x3f: {  	_ =	swait.ge [sflag:s15], $0x4000  }
0x40: {  	s29 =	smov.u32 s0;
	s28 =	sshra.s32 s31, $0x2;
	[sflag:s15] =	ssyncset.done $0x0  }
0x41: {  	s0 =	sadd.s32 $0x80, s28;
	[sflag:s15] =	ssyncadd.s32 $0xFFFFC000  }
0x42: {  	[tilespmem:s20], [sflag:$0x2] =	stream.indirect.gather [hbm4b:s4+s17], $0x80, s0, s17, $0xb8;
	[tilespmem:$0x1E800] =	vst v63  }
0x43: {  	_ =	swait.ge [sflag:s21], $0x4000  }
0x44: {  	[sflag:s21] =	ssyncset.done $0x0  }
0x45: {  	s30 =	sadd.s32 $0x1400, s28;
	[sflag:s21] =	ssyncadd.s32 $0xFFFFC000  }
0x46: {  	[spmem:s2] =	stream.indirect.scatter.add.f32 [tilespmem:s18], [sflag:$0x4], $0x80, s30, s17, $0xb8;
	[tilespmem:$0x1E800] =	vst v63  }
0x47: {  	_ =	swait.ge [sflag:s15], $0x4000  }
0x48: {  	[sflag:s15] =	ssyncset.done $0x0  }
0x49: {  	s31 =	sadd.s32 $0x100, s28;
	[sflag:s15] =	ssyncadd.s32 $0xFFFFC000  }
0x4a: {  	[tilespmem:s18], [sflag:$0x1] =	stream.indirect.gather [hbm4b:s4+s17], $0x80, s31, s17, $0xb8;
	[tilespmem:$0x1E800] =	vst v63  }
0x4b: {  	_ =	swait.ge [sflag:s22], $0x4000  }
0x4c: {  	[sflag:s22] =	ssyncset.done $0x0  }
0x4d: {  	s30 =	sadd.s32 $0x1480, s28;
	[sflag:s22] =	ssyncadd.s32 $0xFFFFC000  }
0x4e: {  	[spmem:s2] =	stream.indirect.scatter.add.f32 [tilespmem:s20], [sflag:$0x4], $0x80, s30, s17, $0xb8;
	[tilespmem:$0x1E800] =	vst v63  }
0x4f: {  	_ =	swait.ge [sflag:s15], $0x4000  }
0x50: {  	[sflag:s15] =	ssyncset.done $0x0  }
0x51: {  	[sflag:s15] =	ssyncadd.s32 $0xFFFFC000  }
0x52: {  	[tilespmem:s20], [sflag:$0x2] =	stream.indirect.gather [hbm4b:s4+s17], $0x80, s23, s17, $0xb8;
	[tilespmem:$0x1E800] =	vst v63  }
0x53: {  	_ =	swait.ge [sflag:s21], $0x4000  }
0x54: {  	[sflag:s21] =	ssyncset.done $0x0  }
0x55: {  	[sflag:s21] =	ssyncadd.s32 $0xFFFFC000  }
0x56: {  	[spmem:s2] =	stream.indirect.scatter.add.f32 [tilespmem:s18], [sflag:$0x4], $0x80, s24, s17, $0xb8;
	[tilespmem:$0x1E800] =	vst v63  }
0x57: {  	_ =	swait.ge [sflag:s15], $0x4000  }
0x58: {  	[sflag:s15] =	ssyncset.done $0x0  }
0x59: {  	[sflag:s15] =	ssyncadd.s32 $0xFFFFC000  }
0x5a: {  	_ =	swait.ge [sflag:s22], $0x4000  }
0x5b: {  	[sflag:s22] =	ssyncset.done $0x0  }
0x5c: {  	[sflag:s22] =	ssyncadd.s32 $0xFFFFC000  }
0x5d: {  	[spmem:s2] =	stream.indirect.scatter.add.f32 [tilespmem:s20], [sflag:$0x4], $0x80, s25, s17, $0xb8;
	[tilespmem:$0x1E800] =	vst v63  }
0x5e: {  	_ =	swait.ge [sflag:s15], $0x4000  }
0x5f: {  	[sflag:s15] =	ssyncset.done $0x0  }
0x60: {  	s31 =	simm.s32 $0x0;
	[sflag:s15] =	ssyncadd.s32 $0xFFFFC000  }
0x61: {  	[tilespmem:s31], [sflag:$0x4] =	stream.linear.gather [hbm4b:s10+s31], $0x1400, $0x38;
	[tilespmem:$0x1E800] =	vst v63  }
0x62: {  	_ =	swait.ge [sflag:s15], $0x1400  }
0x63: {  	[sflag:s15] =	ssyncset.done $0x0  }
0x64: {  	[sflag:s15] =	ssyncadd.s32 $0xFFFFEC00  }
0x65: {  	[tilespmem:s16], [sflag:$0x4] =	stream.linear.gather [hbm4b:s11+s31], $0x1400, $0x38;
	[tilespmem:$0x1E800] =	vst v63  }
0x66: {  	_ =	swait.ge [sflag:s15], $0x1400  }
0x67: {  	[sflag:s15] =	ssyncset.done $0x0  }
0x68: {  	[sflag:s15] =	ssyncadd.s32 $0xFFFFEC00  }
0x69: {  	[tilespmem:s18], [sflag:$0x1] =	stream.indirect.gather [hbm4b:s4+s17], $0x80, s31, s17, $0xb8;
	[tilespmem:$0x1E800] =	vst v63  }
0x6a: {  	s30 =	simm.s32 $0x80  }
0x6b: {  	[tilespmem:s20], [sflag:$0x2] =	stream.indirect.gather [hbm4b:s4+s17], $0x80, s30, s17, $0xb8;
	[tilespmem:$0x1E800] =	vst v63  }
0x6c: {  	_ =	swait.ge [sflag:s21], $0x4000  }
0x6d: {  	[sflag:s21] =	ssyncset.done $0x0  }
0x6e: {  	s31 =	simm.s32 $0x1400;
	[sflag:s21] =	ssyncadd.s32 $0xFFFFC000  }
0x6f: {  	[spmem:s2] =	stream.indirect.scatter.add.f32 [tilespmem:s18], [sflag:$0x4], $0x80, s31, s17, $0xb8;
	[tilespmem:$0x1E800] =	vst v63  }
0x70: {  	_ =	swait.ge [sflag:s15], $0x4000  }
0x71: {  	[sflag:s15] =	ssyncset.done $0x0  }
0x72: {  	s30 =	simm.s32 $0x100;
	[sflag:s15] =	ssyncadd.s32 $0xFFFFC000  }
0x73: {  	[tilespmem:s18], [sflag:$0x1] =	stream.indirect.gather [hbm4b:s4+s17], $0x80, s30, s17, $0xb8;
	[tilespmem:$0x1E800] =	vst v63  }
0x74: {  	_ =	swait.ge [sflag:s22], $0x4000  }
0x75: {  	[sflag:s22] =	ssyncset.done $0x0  }
0x76: {  	s31 =	simm.s32 $0x1480;
	[sflag:s22] =	ssyncadd.s32 $0xFFFFC000  }
0x77: {  	[spmem:s2] =	stream.indirect.scatter.add.f32 [tilespmem:s20], [sflag:$0x4], $0x80, s31, s17, $0xb8;
	[tilespmem:$0x1E800] =	vst v63  }
0x78: {  	_ =	swait.ge [sflag:s15], $0x4000  }
0x79: {  	s29 =	simm.s32 $0x800;
	s28 =	simm.s32 $0x100;
	[sflag:s15] =	ssyncset.done $0x0  }
.LBB2_4:
0x7a: {  	s0 =	sadd.s32 $0x80, s28  }
0x7b: {  	[sflag:s15] =	ssyncadd.s32 $0xFFFFC000;
	s30 =	smov.u32 s29;
	s31 =	sadd.s32 $0x400, s29  }
0x7c: {  	[tilespmem:s20], [sflag:$0x2] =	stream.indirect.gather [hbm4b:s4+s17], $0x80, s0, s17, $0xb8;
	[tilespmem:$0x1E800] =	vst v63  }
0x7d: {  	p0 =	sne.s32 s29, $0x4800;
	_ =	swait.ge [sflag:s21], $0x4000  }
0x7e: {  	[sflag:s21] =	ssyncset.done $0x0  }
0x7f: {  	s0 =	sadd.s32 $0x1400, s28;
	[sflag:s21] =	ssyncadd.s32 $0xFFFFC000  }
0x80: {  	[spmem:s2] =	stream.indirect.scatter.add.f32 [tilespmem:s18], [sflag:$0x4], $0x80, s0, s17, $0xb8;
	[tilespmem:$0x1E800] =	vst v63  }
0x81: {  	_ =	swait.ge [sflag:s15], $0x4000  }
0x82: {  	[sflag:s15] =	ssyncset.done $0x0  }
0x83: {  	s0 =	sadd.s32 $0x100, s28;
	[sflag:s15] =	ssyncadd.s32 $0xFFFFC000  }
0x84: {  	[tilespmem:s18], [sflag:$0x1] =	stream.indirect.gather [hbm4b:s4+s17], $0x80, s0, s17, $0xb8;
	[tilespmem:$0x1E800] =	vst v63  }
0x85: {  	_ =	swait.ge [sflag:s22], $0x4000  }
.Ltmp1:
0x86: {  	[sflag:s22] =	ssyncset.done $0x0;
	(pc) =	sbr.rel @p0 .LBB2_4-.Ltmp1, $4  }
0x87: {  	s0 =	sadd.s32 $0x1480, s28;
	[sflag:s22] =	ssyncadd.s32 $0xFFFFC000  }
0x88: {  	[spmem:s2] =	stream.indirect.scatter.add.f32 [tilespmem:s20], [sflag:$0x4], $0x80, s0, s17, $0xb8;
	[tilespmem:$0x1E800] =	vst v63  }
0x89: {  	_ =	swait.ge [sflag:s15], $0x4000  }
0x8a: {  	s29 =	smov.u32 s31;
	s28 =	sshra.s32 s30, $0x2;
	[sflag:s15] =	ssyncset.done $0x0  }
0x8b: {  	s0 =	sadd.s32 $0x80, s28;
	[sflag:s15] =	ssyncadd.s32 $0xFFFFC000  }
0x8c: {  	[tilespmem:s20], [sflag:$0x2] =	stream.indirect.gather [hbm4b:s4+s17], $0x80, s0, s17, $0xb8;
	[tilespmem:$0x1E800] =	vst v63  }
0x8d: {  	_ =	swait.ge [sflag:s21], $0x4000  }
0x8e: {  	[sflag:s21] =	ssyncset.done $0x0  }
0x8f: {  	s31 =	sadd.s32 $0x1400, s28;
	[sflag:s21] =	ssyncadd.s32 $0xFFFFC000  }
0x90: {  	[spmem:s2] =	stream.indirect.scatter.add.f32 [tilespmem:s18], [sflag:$0x4], $0x80, s31, s17, $0xb8;
	[tilespmem:$0x1E800] =	vst v63  }
0x91: {  	_ =	swait.ge [sflag:s15], $0x4000  }
0x92: {  	[sflag:s15] =	ssyncset.done $0x0  }
0x93: {  	s29 =	sadd.s32 $0x100, s28;
	[sflag:s15] =	ssyncadd.s32 $0xFFFFC000  }
0x94: {  	[tilespmem:s18], [sflag:$0x1] =	stream.indirect.gather [hbm4b:s4+s17], $0x80, s29, s17, $0xb8;
	[tilespmem:$0x1E800] =	vst v63  }
0x95: {  	_ =	swait.ge [sflag:s22], $0x4000  }
0x96: {  	[sflag:s22] =	ssyncset.done $0x0  }
0x97: {  	s30 =	sadd.s32 $0x1480, s28;
	[sflag:s22] =	ssyncadd.s32 $0xFFFFC000  }
0x98: {  	[spmem:s2] =	stream.indirect.scatter.add.f32 [tilespmem:s20], [sflag:$0x4], $0x80, s30, s17, $0xb8;
	[tilespmem:$0x1E800] =	vst v63  }
0x99: {  	_ =	swait.ge [sflag:s15], $0x4000  }
0x9a: {  	[sflag:s15] =	ssyncset.done $0x0  }
0x9b: {  	[sflag:s15] =	ssyncadd.s32 $0xFFFFC000  }
0x9c: {  	[tilespmem:s20], [sflag:$0x2] =	stream.indirect.gather [hbm4b:s4+s17], $0x80, s23, s17, $0xb8;
	[tilespmem:$0x1E800] =	vst v63  }
0x9d: {  	_ =	swait.ge [sflag:s21], $0x4000  }
0x9e: {  	[sflag:s21] =	ssyncset.done $0x0  }
0x9f: {  	[sflag:s21] =	ssyncadd.s32 $0xFFFFC000  }
0xa0: {  	[spmem:s2] =	stream.indirect.scatter.add.f32 [tilespmem:s18], [sflag:$0x4], $0x80, s24, s17, $0xb8;
	[tilespmem:$0x1E800] =	vst v63  }
0xa1: {  	_ =	swait.ge [sflag:s15], $0x4000  }
0xa2: {  	[sflag:s15] =	ssyncset.done $0x0  }
0xa3: {  	[sflag:s15] =	ssyncadd.s32 $0xFFFFC000  }
0xa4: {  	_ =	swait.ge [sflag:s22], $0x4000  }
0xa5: {  	[sflag:s22] =	ssyncset.done $0x0  }
0xa6: {  	[sflag:s22] =	ssyncadd.s32 $0xFFFFC000  }
0xa7: {  	[spmem:s2] =	stream.indirect.scatter.add.f32 [tilespmem:s20], [sflag:$0x4], $0x80, s25, s17, $0xb8;
	[tilespmem:$0x1E800] =	vst v63  }
0xa8: {  	_ =	swait.ge [sflag:s15], $0x4000  }
0xa9: {  	s26 =	sadd.s32 $0x1, s26;
	[sflag:s15] =	ssyncset.done $0x0  }
0xaa: {  	p0 =	sne.s32 s26, s13;
	[sflag:s15] =	ssyncadd.s32 $0xFFFFC000  }
.Ltmp2:
0xab: {  	s31 =	sor.u32 $0x1C04, s6;
	[bflag:$0x0] =	sbarrier.arrive $0xFFFF;
	(pc) =	sbr.rel @p0 .LBB2_1-.Ltmp2, $4  }
0xac: {  	[hbm:s12], [sflag:s31] =	dma.local [spmem:s14], $0x2800  }
0xad: {  	_ =	swait.ge [sflag:s15], $0x2800  }
0xae: {  	[sflag:s15] =	ssyncset.done $0x0  }
0xaf: {  	[sflag:s15] =	ssyncadd.s32 $0xFFFFD800  }
0xb0: {  	_ =	sfence.sel $0x180000  }
0xb1: {  	[bflag:$0x0] =	sbarrier.arrive $0xFFFF  }
0xb2: {  	_ =	strace $0x9000004D  }
0xb3: {  	[bflag:$0x2] =	sbarrier.arrive $0xFFFF  }
0xb4: {  	p0 =	sne.s32 s1, $0x0;
	s0 =	rddreg [dreg:$0x2]  }
0xb5: {  	s0 =	sadd.s32 @!p0 $0x100000, s0  }
0xb6: {  	[sflag:s0] =	ssyncadd.tile.s32 @!p0 $0x1;
	_ =	shalt  }
.Lfunc_end2:
_tile_overlayer_lowered:
.L_overlay_start_2:
0xb7: {  	(tag) =	ssettag $0x2  }
0xb8: {  	s0 =	rddreg [dreg:$0x0];
	s2 =	stileid.u32  }
0xb9: {  	s1 =	rddreg [dreg:$0x1];
	p0 =	sne.s32 s2, $0x0  }
0xba: {  	s3 =	rddreg [dreg:$0x2];
	[bflag:$0x3] =	sbarrier.arrive $0xFFFF;
	s2 =	simm.s32 @!p0 $0x1C04  }
0xbb: {  	[timem:s3], [sflag:s2] =	dma.local @!p0 [hbm:s0], s1  }
0xbc: {  	s0 =	simm.s32 @!p0 $0x4  }
0xbd: {  	_ =	swait.ge @!p0 [sflag:s0], s1  }
0xbe: {  	s1 =	ssub.s32 @!p0 $0x0, s1;
	[sflag:s0] =	ssyncset.done @!p0 $0x0  }
0xbf: {  	[sflag:s0] =	ssyncadd.s32 @!p0 s1  }
0xc0: {  	[bflag:$0x3] =	sbarrier.arrive $0xFFFF  }
0xc1: {  	_ =	shalt  }

// kernel: kernel.9.cloned.1.call-start
scs
__scs_entry_jumppad:
0x0: {  	(pc) =	sbr.rel $0x88, $3  }
0x1: {  	(tag) =	ssettag $0x0;
	lr =	simm.s32 $0x1  }
0x2: {  	[smem:$0x3F96] =	sst lr;
	_ =	strace $0xD0000000  }
0x3: {  	_ = 	snop  }
0x4: {  	_ = 	snop  }
0x5: {  	_ = 	snop  }
0x6: {  	_ = 	snop  }
0x7: {  	_ = 	snop  }
__scs_overlays_trampoline_lowered:
0x8: {  	[smem:$0x3FA5] =	sst s0  }
0x9: {  	[smem:$0x3FA6] =	sst s1  }
0xa: {  	[smem:$0x3FA7] =	sst s2  }
0xb: {  	[smem:$0x3FA8] =	sst s3  }
0xc: {  	[smem:$0x3FA9] =	sst s4  }
0xd: {  	[smem:$0x3FAA] =	sst s5  }
0xe: {  	[smem:$0x3FAB] =	sst s6  }
0xf: {  	[smem:$0x3FAC] =	sst s7  }
0x10: {  	[smem:$0x3FAD] =	sst s8  }
0x11: {  	[smem:$0x3FAE] =	sst s9;
	s0 =	simm.s32 @!p0 $0x0  }
0x12: {  	s1 =	sld [smem:$0x3F94];
	s0 =	simm.s32 @p0 $0x1  }
0x13: {  	[smem:$0x3FAF] =	sst s0;
	s0 =	simm.s32 @!p1 $0x0  }
0x14: {  	s2 =	sld [smem:$0x3F93];
	s0 =	simm.s32 @p1 $0x1  }
0x15: {  	[smem:$0x3FB0] =	sst s0;
	s0 =	simm.s32 @!p2 $0x0  }
0x16: {  	s3 =	sld [smem:$0x3FDB];
	s0 =	simm.s32 @p2 $0x1  }
0x17: {  	s4 =	simm.s32 $0x1BF5;
	[smem:$0x3FB2] =	sst s0  }
0x18: {  	s0 =	sld [smem:$0x3F95];
	_ =	swait.ge [sflag:s4], $0x0  }
0x19: {  	s7 =	sld [smem:$0x3F96]  }
0x1a: {  	s8 =	sadd.s32 $0xFFFFE003, lr  }
0x1b: {  	s9 =	sadd.s32 $0xFFFFFEF7, lr;
	s5 =	simm.s32 $0xFFFFFFFF;
	p2 =	slt.u32 s8, $0xFFFFF086  }
0x1c: {  	p1 =	slt.u32 s9, $0xF7A;
	s5 =	simm.s32 @!p2 $0x0  }
0x1d: {  	s5 =	simm.s32 @p1 $0x1;
	p0 =	seq.s32 s7, s2  }
0x1e: {  	s7 =	smul.u32 @!p0 $0xF7A, s2;
	p2 =	seq.s32 @!p0 s5, $0x0  }
0x1f: {  	s9 =	smul.u32 $0xF7A, s1;
	s8 =	simm.s32 @!p0 $0x1BF5;
	p2 =	por !p2, p0  }
0x20: {  	[sflag:s8] =	ssyncset.s32 @!p0 $0xFFFFF086;
	s6 =	sadd.s32 @!p0 s3, s7;
	s7 =	simm.s32 @!p0 $0x108  }
0x21: {  	s3 =	sadd.s32 s3, s9;
	s6 =	sadd.s32 @!p0 $0x88, s6;
	s7 =	simm.s32 @p2 $0x1082  }
0x22: {  	[simem:s7], [sflag:s8] =	dma.local @!p0 [hbm:s6], $0xF7A  }
0x23: {  	s9 =	sor.u32 $0xD0000000, s2;
	s6 =	simm.s32 $0x108;
	_ =	swait.ge @!p0 [sflag:s8], $0x0  }
0x24: {  	s3 =	sadd.s32 $0x88, s3;
	s6 =	simm.s32 @!p1 $0x1082;
	[sflag:s4] =	ssyncset.s32 $0xFFFFF086  }
0x25: {  	[simem:s6], [sflag:s4] =	dma.local [hbm:s3], $0xF7A  }
0x26: {  	[smem:$0x3F96] =	sst s1;
	(tag) =	ssettag s2;
	_ =	strace s9  }
0x27: {  	s1 =	sld [smem:$0x3FA6]  }
0x28: {  	s2 =	sld [smem:$0x3FA7]  }
0x29: {  	s4 =	sld [smem:$0x3FA9]  }
0x2a: {  	p0 =	seq.s32 s5, $0x0;
	s5 =	sld [smem:$0x3FAA]  }
0x2b: {  	s6 =	sld [smem:$0x3FAB]  }
0x2c: {  	s7 =	sld [smem:$0x3FAC]  }
0x2d: {  	s3 =	simm.s32 $0x108;
	s8 =	sld [smem:$0x3FAD]  }
0x2e: {  	s3 =	simm.s32 @!p0 $0x1082;
	s9 =	sld [smem:$0x3FAE]  }
0x2f: {  	lr =	sadd.s32 s0, s3;
	s0 =	sld [smem:$0x3FA5]  }
0x30: {  	s3 =	sld [smem:$0x3FA8]  }
0x31: {  	[smem:$0x3FB1] =	sst s10  }
0x32: {  	s10 =	sld [smem:$0x3FAF];
	_ =	sdelay $0x3  }
0x33: {  	p0 =	seq.s32 s10, $0x1;
	s10 =	sld [smem:$0x3FB1];
	_ =	sdelay $0x3  }
0x34: {  	[smem:$0x3FB1] =	sst s10  }
0x35: {  	s10 =	sld [smem:$0x3FB0];
	_ =	sdelay $0x3  }
0x36: {  	p1 =	seq.s32 s10, $0x1;
	s10 =	sld [smem:$0x3FB1];
	_ =	sdelay $0x3  }
0x37: {  	[smem:$0x3FB1] =	sst s10  }
0x38: {  	s10 =	sld [smem:$0x3FB2]  }
0x39: {  	_ = 	snop;
	(pc) =	sbr.ind lr, $3  }
0x3a: {  	_ = 	snop  }
0x3b: {  	_ = 	snop  }
0x3c: {  	p2 =	seq.s32 s10, $0x1;
	s10 =	sld [smem:$0x3FB1]  }
0x3d: {  	_ =	shalt  }
0x3e: {  	_ =	shalt  }
0x3f: {  	_ =	shalt  }
0x40: {  	_ =	shalt  }
0x41: {  	_ =	shalt  }
0x42: {  	_ =	shalt  }
0x43: {  	_ =	shalt  }
0x44: {  	_ =	shalt  }
0x45: {  	_ =	shalt  }
0x46: {  	_ =	shalt  }
0x47: {  	_ =	shalt  }
0x48: {  	_ =	shalt  }
0x49: {  	_ =	shalt  }
0x4a: {  	_ =	shalt  }
0x4b: {  	_ =	shalt  }
0x4c: {  	_ =	shalt  }
0x4d: {  	_ =	shalt  }
0x4e: {  	_ =	shalt  }
0x4f: {  	_ =	shalt  }
0x50: {  	_ =	shalt  }
0x51: {  	_ =	shalt  }
0x52: {  	_ =	shalt  }
0x53: {  	_ =	shalt  }
0x54: {  	_ =	shalt  }
0x55: {  	_ =	shalt  }
0x56: {  	_ =	shalt  }
0x57: {  	_ =	shalt  }
0x58: {  	_ =	shalt  }
0x59: {  	_ =	shalt  }
0x5a: {  	_ =	shalt  }
0x5b: {  	_ =	shalt  }
0x5c: {  	_ =	shalt  }
0x5d: {  	_ =	shalt  }
0x5e: {  	_ =	shalt  }
0x5f: {  	_ =	shalt  }
0x60: {  	_ =	shalt  }
0x61: {  	_ =	shalt  }
0x62: {  	_ =	shalt  }
0x63: {  	_ =	shalt  }
0x64: {  	_ =	shalt  }
0x65: {  	_ =	shalt  }
0x66: {  	_ =	shalt  }
0x67: {  	_ =	shalt  }
0x68: {  	_ =	shalt  }
0x69: {  	_ =	shalt  }
0x6a: {  	_ =	shalt  }
0x6b: {  	_ =	shalt  }
0x6c: {  	_ =	shalt  }
0x6d: {  	_ =	shalt  }
0x6e: {  	_ =	shalt  }
0x6f: {  	_ =	shalt  }
0x70: {  	_ =	shalt  }
0x71: {  	_ =	shalt  }
0x72: {  	_ =	shalt  }
0x73: {  	_ =	shalt  }
0x74: {  	_ =	shalt  }
0x75: {  	_ =	shalt  }
0x76: {  	_ =	shalt  }
0x77: {  	_ =	shalt  }
0x78: {  	_ =	shalt  }
0x79: {  	_ =	shalt  }
0x7a: {  	_ =	shalt  }
0x7b: {  	_ =	shalt  }
0x7c: {  	_ =	shalt  }
0x7d: {  	_ =	shalt  }
0x7e: {  	_ =	shalt  }
0x7f: {  	_ =	shalt  }
0x80: {  	_ =	shalt  }
0x81: {  	_ =	shalt  }
0x82: {  	_ =	shalt  }
0x83: {  	_ =	shalt  }
0x84: {  	_ =	shalt  }
0x85: {  	_ =	shalt  }
0x86: {  	_ =	shalt  }
0x87: {  	_ =	shalt  }
.Lfunc_end0:
.L_simem_size_0:
called_computation_lowered:
.L_overlay_start_0:
0x88: {  	s2 =	sld [smem:$0x3FD9]  }
0x89: {  	s3 =	sld [smem:$0x3FFE];
	_ =	sdelay $0x1  }
0x8a: {  	s1 =	srdreg.scid  }
0x8b: {  	s0 =	sand.u32 $0x1, s1  }
0x8c: {  	s17 =	sshll.u32 s0, $0xA;
	s2 =	sadd.s32 s3, s2  }
0x8d: {  	s2 =	sadd.s32 s2, s17  }
0x8e: {  	[smem:$0x3FBD] =	sst s2  }
0x8f: {  	_ = 	snop  }
0x90: {  	s2 =	sld [smem:$0x3FD0];
	(tm) =	ssettm $0x1  }
0x91: {  	s18 =	sld [smem:$0x3FFB];
	_ =	sdelay $0x3  }
0x92: {  	_ =	strace s18  }
0x93: {  	s3 =	sld [smem:$0x3FFC];
	_ =	sdelay $0x3  }
0x94: {  	_ =	strace s3  }
0x95: {  	s3 =	sld [smem:$0x3FFD];
	_ =	sdelay $0x3  }
0x96: {  	_ =	strace s3  }
0x97: {  	_ =	strace $0x8FFFFFFF  }
0x98: {  	s19 =	sld [smem:$0x3FDB];
	_ =	sdelay $0x1  }
0x99: {  	s4 =	simm.s32 $_scs_section_size  }
0x9a: {  	s5 =	simm.s32 $_size__tile_overlayer_lowered;
	s6 =	simm.s32 $_tile_overlayer_lowered  }
0x9b: {  	s22 =	simm.s32 $0x1BFF;
	s21 =	sshll.u32 s6, $0x1;
	s3 =	sadd.s32 s4, s19  }
0x9c: {  	s7 =	simm.s32 $0x0;
	s20 =	sshll.u32 s5, $0x1;
	s5 =	sadd.s32 s21, s3  }
0x9d: {  	[timem:s7], [sflag:s22] =	dma.local [hbm:s5], s20  }
0x9e: {  	_ =	swait.ge [sflag:s22], s20  }
0x9f: {  	s4 =	ssub.s32 $0x0, s20;
	[sflag:s22] =	ssyncset.done $0x0  }
0xa0: {  	[sflag:s22] =	ssyncadd.s32 s4;
	_ =	sdelay $0x1  }
0xa1: {  	s23 =	simm.s32 $0x1B8B  }
0xa2: {  	_ =	swait.ge [sflag:s23], $0x1  }
0xa3: {  	[sflag:s23] =	ssyncset.done $0x0  }
0xa4: {  	s25 =	simm.s32 $0x1B8E;
	s24 =	sld [smem:$0x3FFE];
	[sflag:s23] =	ssyncadd.s32 $0xFFFFFFFF  }
0xa5: {  	s26 =	simm.s32 $execute0_lowered;
	[smem:$0x3FD2] =	sst s25  }
0xa6: {  	s5 =	sshll.u32 s26, $0x1;
	_ =	strace $0x80000046;
	[dreg:$0x1] =	wrdreg $0xFFFFFFFF  }
0xa7: {  	s28 =	simm.s32 $_size_execute0_lowered;
	s3 =	sadd.s32 s3, s5;
	[dreg:$0x0] =	wrdreg $0x0  }
0xa8: {  	s5 =	sshll.u32 s28, $0x1;
	[dreg:$0x2] =	wrdreg s3  }
0xa9: {  	[dreg:$0x3] =	wrdreg s5  }
0xaa: {  	[dreg:$0x4] =	wrdreg $0xC0  }
0xab: {  	_ =	task [dreg:s7], $0x5FFFF  }
0xac: {  	[dreg:$0x1] =	wrdreg $0xFFFFFFFF  }
0xad: {  	[dreg:$0x0] =	wrdreg $0x60  }
0xae: {  	[dreg:$0x2] =	wrdreg s24  }
0xaf: {  	[dreg:$0x3] =	wrdreg s2  }
0xb0: {  	[dreg:$0x4] =	wrdreg $0x28800  }
0xb1: {  	[dreg:$0x5] =	wrdreg $0x9  }
0xb2: {  	_ =	task.clear_ibuf [dreg:s7], $0x6FFFF;
	_ =	strace $0x90000046  }
0xb3: {  	s29 =	simm.s32 $0x9;
	_ =	strace $0x80000048  }
0xb4: {  	_ =	swait.ge [sflag:s29], $0x1  }
0xb5: {  	[sflag:s29] =	ssyncadd.s32 $0xFFFFFFFF  }
0xb6: {  	_ =	strace $0x90000048  }
0xb7: {  	_ =	sfence  }
0xb8: {  	s30 =	sld [smem:$0x0];
	_ =	sdelay $0x2  }
0xb9: {  	s31 =	sshll.u32 s1, $0xD;
	s1 =	sshrl.u32 s1, $0x2  }
0xba: {  	s3 =	sand.u32 $0x4000, s31;
	s1 =	sadd.s32 s1, s30  }
0xbb: {  	s0 =	sor.u32 s3, s0;
	s1 =	sshll.u32 s1, $0x11  }
0xbc: {  	s0 =	sor.u32 s1, s0  }
0xbd: {  	s0 =	sadd.s32 $0x8F2B, s0  }
0xbe: {  	[sflag:s0] =	ssyncadd.remote.s32 $0x1  }
0xbf: {  	_ =	sfence.sel $0xFFFF  }
0xc0: {  	[dreg:$0x0] =	wrdreg $0xFFFFFFFF;
	(pc) =	sbr.abs _section_cstart, $3  }
0xc1: {  	[dreg:$0x1] =	wrdreg $0xFFFFFFFF  }
0xc2: {  	_ =	task.clear_ibuf [dreg:s7], $0x2FFFF;
	_ =	strace $0x9FFFFFFF  }
0xc3: {  	(tm) =	ssettm $0x7FFFFFFF  }
tec
execute0_lowered:
.L_overlay_start_1:
0x0: {  	(tag) =	ssettag $0x1  }
0x1: {  	s4 =	rddreg [dreg:$0x0]  }
0x2: {  	s5 =	rddreg [dreg:$0x1]  }
0x3: {  	s2 =	rddreg [dreg:$0x2]  }
0x4: {  	s0 =	rddreg [dreg:$0x3];
	s6 =	srdreg.scid  }
0x5: {  	s3 =	simm.s32 $0x0;
	s1 =	stileid.u32;
	s12 =	simm.s32 $0x2800  }
0x6: {  	s13 =	simm.s32 $0x20;
	s14 =	simm.s32 $0x10;
	s15 =	simm.s32 $0x0  }
0x7: {  	s6 =	sand.u32 $0x1, s6;
	[smem:$0x7FF] =	sst s3;
	s8 =	smul.u32 $0x500, s1  }
0x8: {  	s10 =	smul.u32 $0x280, s1;
	s31 =	sshll.u32 s1, $0x6;
	s7 =	sshll.u32 s6, $0x4  }
0x9: {  	_ =	strace $0x80000047;
	s9 =	sshll.u32 s6, $0x7;
	s6 =	ssub.s32 $0x2, s6  }
0xa: {  	s7 =	sor.u32 s1, s7;
	s8 =	sor.u32 s9, s8;
	s29 =	sshrl.u32 s6, $0x1  }
0xb: {  	s11 =	sadd.s32 s10, s2;
	s30 =	sshrl.u32 s10, $0x3;
	s7 =	smul.u32 $0x500, s7  }
0xc: {  	s8 =	sshrl.u32 s8, $0x3;
	s9 =	ssub.s32 s6, s29;
	s5 =	sadd.s32 s5, s30  }
0xd: {  	s10 =	sshrl.u32 s11, $0x3;
	s11 =	simm.s32 $0x80;
	s8 =	sadd.s32 s8, s4  }
0xe: {  	s7 =	sadd.s32 s7, s4;
	s6 =	sadd.s32 $0x16A00, s8;
	s8 =	simm.s32 $0x1  }
0xf: {  	v0 =	vimm.f32 $1.000000000e+00;
	s4 =	sadd.s32 $0xCA00, s7;
	s7 =	smax.u32 s9, $0x1;
	s9 =	sor.u32 $0x1C01, s31  }
.LBB2_1:
0x10: {  	[tilespmem:s3], [sflag:$0x1] =	stream.linear.gather [hbm4b:s4+s3], $0x2800, $0x38;
	[tilespmem:$0x2B00] =	vst v63  }
0x11: {  	_ =	swait.ge [sflag:s8], $0x2800  }
0x12: {  	[sflag:s8] =	ssyncset.done $0x0  }
0x13: {  	[sflag:s8] =	ssyncadd.s32 $0xFFFFD800  }
0x14: {  	[spmem:s10], [sflag:s9] =	dma.local [hbm:s5], $0x50  }
0x15: {  	_ =	swait.ge [sflag:s8], $0x50  }
0x16: {  	[sflag:s8] =	ssyncset.done $0x0  }
0x17: {  	[sflag:s8] =	ssyncadd.s32 $0xFFFFFFB0  }
0x18: {  	[tilespmem:$0x2800] =	vst v0  }
0x19: {  	[tilespmem:$0x2810] =	vst v0  }
0x1a: {  	[tilespmem:$0x2820] =	vst v0  }
0x1b: {  	[tilespmem:$0x2830] =	vst v0  }
0x1c: {  	[tilespmem:$0x2840] =	vst v0  }
0x1d: {  	[tilespmem:$0x2850] =	vst v0  }
0x1e: {  	[tilespmem:$0x2860] =	vst v0  }
0x1f: {  	[tilespmem:$0x2870] =	vst v0  }
0x20: {  	s16 =	simm.s32 $0x0;
	[bflag:$0x0] =	sbarrier.arrive $0xFFFF  }
0x21: {  	[spmem:s2] =	stream.indirect.scatter.add.f32 [tilespmem:s12], [sflag:$0x1], $0x1, s16, s11, $0xb8;
	[tilespmem:$0x2B00] =	vst v63  }
0x22: {  	_ =	swait.ge [sflag:s8], $0x80  }
0x23: {  	s16 =	simm.s32 $0x200;
	[sflag:s8] =	ssyncset.done $0x0  }
.LBB2_2:
0x24: {  	s17 =	sshra.s32 s16, $0x2;
	[sflag:s8] =	ssyncadd.s32 $0xFFFFFF80;
	p0 =	sne.s32 s16, $0x9E00  }
0x25: {  	[spmem:s2] =	stream.indirect.scatter.add.f32 [tilespmem:s12], [sflag:$0x1], $0x1, s17, s11, $0xb8;
	[tilespmem:$0x2B00] =	vst v63  }
.Ltmp0:
0x26: {  	_ = 	snop;
	(pc) =	sbr.rel @p0 .LBB2_2-.Ltmp0, $4  }
0x27: {  	_ = 	snop  }
0x28: {  	s16 =	sadd.s32 $0x200, s16  }
0x29: {  	_ =	swait.ge [sflag:s8], $0x80  }
0x2a: {  	[sflag:s8] =	ssyncset.done $0x0  }
0x2b: {  	s15 =	sadd.s32 $0x1, s15  }
0x2c: {  	[sflag:s8] =	ssyncadd.s32 $0xFFFFFF80;
	p0 =	sne.s32 s15, s7  }
.Ltmp1:
0x2d: {  	[bflag:$0x0] =	sbarrier.arrive $0xFFFF;
	(pc) =	sbr.rel @p0 .LBB2_1-.Ltmp1, $4  }
0x2e: {  	[hbm:s6@s13], [sflag:s9] =	dma.strided [spmem:s10@s14], $0x50, s8, $0x10   }
0x2f: {  	_ =	swait.ge [sflag:s8], $0x50  }
0x30: {  	[sflag:s8] =	ssyncset.done $0x0  }
0x31: {  	[sflag:s8] =	ssyncadd.s32 $0xFFFFFFB0  }
0x32: {  	_ =	sfence.sel $0x180000  }
0x33: {  	[bflag:$0x0] =	sbarrier.arrive $0xFFFF  }
0x34: {  	p0 =	sne.s32 s1, $0x0;
	_ =	strace $0x90000047  }
0x35: {  	s0 =	sadd.s32 @!p0 $0x100000, s0;
	[bflag:$0x2] =	sbarrier.arrive $0xFFFF  }
0x36: {  	[sflag:s0] =	ssyncadd.tile.s32 @!p0 $0x1;
	_ =	shalt  }
.Lfunc_end2:
_tile_overlayer_lowered:
.L_overlay_start_2:
0x37: {  	(tag) =	ssettag $0x2  }
0x38: {  	s0 =	rddreg [dreg:$0x0];
	s2 =	stileid.u32  }
0x39: {  	s1 =	rddreg [dreg:$0x1];
	p0 =	sne.s32 s2, $0x0  }
0x3a: {  	s3 =	rddreg [dreg:$0x2];
	[bflag:$0x3] =	sbarrier.arrive $0xFFFF;
	s2 =	simm.s32 @!p0 $0x1C01  }
0x3b: {  	[timem:s3], [sflag:s2] =	dma.local @!p0 [hbm:s0], s1  }
0x3c: {  	s0 =	simm.s32 @!p0 $0x1  }
0x3d: {  	_ =	swait.ge @!p0 [sflag:s0], s1  }
0x3e: {  	s1 =	ssub.s32 @!p0 $0x0, s1;
	[sflag:s0] =	ssyncset.done @!p0 $0x0  }
0x3f: {  	[sflag:s0] =	ssyncadd.s32 @!p0 s1  }
0x40: {  	[bflag:$0x3] =	sbarrier.arrive $0xFFFF  }
0x41: {  	_ =	shalt  }

</sc_bundles>
